<compile_context>
chip_gen: v7x
topology: tpu7x:2x2x1
jax: 0.10.2.dev20260603
libtpu: 0.0.44.dev20260713+nightly
codegen_flags: <defaults>
</compile_context>

<pallas_src>
import functools

import jax
import jax.numpy as jnp
from jax import lax
from jax.experimental import pallas as pl
from jax.experimental.pallas import tpu as pltpu
from jax.experimental.pallas import tpu_sc as plsc

N = 10000
E = 160000
IN_DIM = 256
H1 = 256
H2 = 128
HD = 128

N_PAD = 10112
TRASH = N_PAD - 1
D_PAD = 16384
D_TRASH = D_PAD - 1
NSUB = 16
EPT = E // NSUB
CH = 128
NCH_S = 81
CH_A = 128
NCH_SA = 80
NCH_GA = 82

_mesh = plsc.VectorSubcoreMesh(core_axis_name="c", subcore_axis_name="s")


@functools.partial(
    pl.kernel,
    out_type=(jax.ShapeDtypeStruct((D_PAD,), jnp.float32),
              jax.ShapeDtypeStruct((D_PAD,), jnp.float32)),
    mesh=_mesh,
    scratch_types=[
        pltpu.VMEM((NCH_S, CH), jnp.int32),
        pltpu.VMEM((CH,), jnp.float32),
        pltpu.VMEM_SHARED((D_PAD,), jnp.float32),
        pltpu.SemaphoreType.DMA,
    ],
)
def _deg_kernel(idx_hbm, zeros1_hbm, out0_hbm, out1_hbm, idx_v, ones_v, acc,
                sem):
    cid = lax.axis_index("c")
    sid = lax.axis_index("s")
    pltpu.sync_copy(zeros1_hbm, acc.at[pl.ds(sid * 1024, 1024)])
    pltpu.sync_copy(idx_hbm.at[cid, sid], idx_v)
    for i in range(CH // 16):
        ones_v[pl.ds(i * 16, 16)] = jnp.full((16,), 1.0, jnp.float32)
    plsc.subcore_barrier()

    def fire(j, carry):
        pltpu.async_copy(ones_v, acc.at[idx_v.at[j]], sem, add=True)
        return carry

    lax.fori_loop(0, NCH_S, fire, 0)

    def drain(j, carry):
        pltpu.make_async_copy(ones_v, acc.at[idx_v.at[j]], sem).wait()
        return carry

    lax.fori_loop(0, NCH_S, drain, 0)
    plsc.subcore_barrier()

    @pl.when(cid == 0)
    def _():
        pltpu.sync_copy(acc.at[pl.ds(sid * 1024, 1024)],
                        out0_hbm.at[pl.ds(sid * 1024, 1024)])

    @pl.when(cid == 1)
    def _():
        pltpu.sync_copy(acc.at[pl.ds(sid * 1024, 1024)],
                        out1_hbm.at[pl.ds(sid * 1024, 1024)])


@functools.partial(
    pl.kernel,
    out_type=jax.ShapeDtypeStruct((2, N_PAD, HD), jnp.float32),
    mesh=_mesh,
    scratch_types=[
        pltpu.VMEM((NCH_GA, CH_A), jnp.int32),
        pltpu.VMEM((2, CH_A), jnp.int32),
        pltpu.VMEM((2, CH_A, HD), jnp.float32),
        pltpu.VMEM_SHARED((N_PAD, HD), jnp.float32),
        pltpu.SemaphoreType.DMA,
        pltpu.SemaphoreType.DMA,
        pltpu.SemaphoreType.DMA,
        pltpu.SemaphoreType.DMA,
        pltpu.SemaphoreType.DMA,
    ],
)
def _agg_kernel(table_hbm, gidx_hbm, sidx_hbm, zeros2_hbm, out_hbm,
                gidx_v, sidxr, gbuf, acc, g0, g1, s0, s1, ssem):
    cid = lax.axis_index("c")
    sid = lax.axis_index("s")
    gsems = [g0, g1]
    isems = [s0, s1]
    rows = N_PAD // NSUB

    pltpu.sync_copy(zeros2_hbm, acc.at[pl.ds(sid * rows, rows)])
    pltpu.sync_copy(gidx_hbm.at[sid], gidx_v)
    plsc.subcore_barrier()

    for b in range(2):
        pltpu.async_copy(sidx_hbm.at[sid, b], sidxr.at[b], isems[b])
        pltpu.async_copy(table_hbm.at[cid].at[gidx_v.at[b]], gbuf.at[b],
                         gsems[b])

    def body(it, carry):
        jj = it * 2
        for b in range(2):
            j = jj + b
            pltpu.make_async_copy(table_hbm.at[cid].at[gidx_v.at[j]],
                                  gbuf.at[b], gsems[b]).wait()
            pltpu.make_async_copy(sidx_hbm.at[sid, j], sidxr.at[b],
                                  isems[b]).wait()
            pltpu.async_copy(gbuf.at[b], acc.at[sidxr.at[b]], ssem, add=True)
            pltpu.make_async_copy(gbuf.at[b], acc.at[sidxr.at[b]],
                                  ssem).wait()
            pltpu.async_copy(sidx_hbm.at[sid, j + 2], sidxr.at[b], isems[b])
            pltpu.async_copy(table_hbm.at[cid].at[gidx_v.at[j + 2]],
                             gbuf.at[b], gsems[b])
        return carry

    lax.fori_loop(0, NCH_SA // 2, body, 0)

    for b in range(2):
        pltpu.make_async_copy(table_hbm.at[cid].at[gidx_v.at[NCH_SA + b]],
                              gbuf.at[b], gsems[b]).wait()
        pltpu.make_async_copy(sidx_hbm.at[sid, NCH_SA + b], sidxr.at[b],
                              isems[b]).wait()
    plsc.subcore_barrier()

    pltpu.sync_copy(acc.at[pl.ds(sid * rows, rows)],
                    out_hbm.at[cid, pl.ds(sid * rows, rows)])


_BM = 2000
_BMD = 2000


def _norms_body(x_ref, od_ref, id_ref, xs_ref, on_ref, in_ref):
    onorm = lax.rsqrt(jnp.maximum(od_ref[...], 1.0))
    inorm = lax.rsqrt(jnp.maximum(id_ref[...], 1.0))
    on_ref[...] = onorm
    in_ref[...] = inorm
    xs = x_ref[...] * onorm
    xs_ref[0] = xs[:, :HD]
    xs_ref[1] = xs[:, HD:]


_norms_call = pl.pallas_call(
    _norms_body,
    grid=(N // _BM,),
    in_specs=[
        pl.BlockSpec((_BM, IN_DIM), lambda i: (i, 0)),
        pl.BlockSpec((_BM, 1), lambda i: (i, 0)),
        pl.BlockSpec((_BM, 1), lambda i: (i, 0)),
    ],
    out_specs=[
        pl.BlockSpec((2, _BM, HD), lambda i: (0, i, 0)),
        pl.BlockSpec((_BM, 1), lambda i: (i, 0)),
        pl.BlockSpec((_BM, 1), lambda i: (i, 0)),
    ],
    out_shape=[
        jax.ShapeDtypeStruct((2, N, HD), jnp.float32),
        jax.ShapeDtypeStruct((N, 1), jnp.float32),
        jax.ShapeDtypeStruct((N, 1), jnp.float32),
    ],
)


def _layer1_body(agg_ref, w_ref, b_ref, in_ref, on_ref, hs_ref):
    h = (jnp.dot(agg_ref[0], w_ref[:HD, :], preferred_element_type=jnp.float32)
         + jnp.dot(agg_ref[1], w_ref[HD:, :],
                   preferred_element_type=jnp.float32))
    h = jnp.maximum(h * in_ref[...] + b_ref[...], 0.0)
    hs = h * on_ref[...]
    hs_ref[0] = hs[:, :HD]
    hs_ref[1] = hs[:, HD:]


_layer1_call = pl.pallas_call(
    _layer1_body,
    grid=(N // _BM,),
    in_specs=[
        pl.BlockSpec((2, _BM, HD), lambda i: (0, i, 0)),
        pl.BlockSpec((H1, H1), lambda i: (0, 0)),
        pl.BlockSpec((1, H1), lambda i: (0, 0)),
        pl.BlockSpec((_BM, 1), lambda i: (i, 0)),
        pl.BlockSpec((_BM, 1), lambda i: (i, 0)),
    ],
    out_specs=pl.BlockSpec((2, _BM, HD), lambda i: (0, i, 0)),
    out_shape=jax.ShapeDtypeStruct((2, N, HD), jnp.float32),
)


def _layer2_body(agg_ref, w2_ref, w3_ref, b2_ref, b3_ref, in_ref, noise_ref,
                 z_ref):
    a0 = agg_ref[0]
    a1 = agg_ref[1]
    mean = (jnp.dot(a0, w2_ref[:HD, :], preferred_element_type=jnp.float32)
            + jnp.dot(a1, w2_ref[HD:, :], preferred_element_type=jnp.float32))
    mean = mean * in_ref[...] + b2_ref[...]
    logs = (jnp.dot(a0, w3_ref[:HD, :], preferred_element_type=jnp.float32)
            + jnp.dot(a1, w3_ref[HD:, :], preferred_element_type=jnp.float32))
    logs = logs * in_ref[...] + b3_ref[...]
    z_ref[...] = mean + noise_ref[...] * jnp.exp(logs)


_layer2_call = pl.pallas_call(
    _layer2_body,
    grid=(N // _BM,),
    in_specs=[
        pl.BlockSpec((2, _BM, HD), lambda i: (0, i, 0)),
        pl.BlockSpec((H1, H2), lambda i: (0, 0)),
        pl.BlockSpec((H1, H2), lambda i: (0, 0)),
        pl.BlockSpec((1, H2), lambda i: (0, 0)),
        pl.BlockSpec((1, H2), lambda i: (0, 0)),
        pl.BlockSpec((_BM, 1), lambda i: (i, 0)),
        pl.BlockSpec((_BM, H2), lambda i: (i, 0)),
    ],
    out_specs=pl.BlockSpec((_BM, H2), lambda i: (i, 0)),
    out_shape=jax.ShapeDtypeStruct((N, H2), jnp.float32),
)

_BN = 2048


def _decoder_body(zi_ref, zj_ref, out_ref):
    acc = lax.dot_general(zi_ref[...], zj_ref[...],
                          (((1,), (1,)), ((), ())),
                          preferred_element_type=jnp.float32)
    out_ref[...] = jax.nn.sigmoid(acc)


_decoder_call = pl.pallas_call(
    _decoder_body,
    grid=(N // _BMD, (N + _BN - 1) // _BN),
    in_specs=[
        pl.BlockSpec((_BMD, H2), lambda i, j: (i, 0)),
        pl.BlockSpec((_BN, H2), lambda i, j: (j, 0)),
    ],
    out_specs=pl.BlockSpec((_BMD, _BN), lambda i, j: (i, j)),
    out_shape=jax.ShapeDtypeStruct((N, N), jnp.float32),
)


def kernel(features, edge_index, W1, b1, W2, b2, W3, b3):
    src = edge_index[0].reshape(NSUB, EPT)
    dst = edge_index[1].reshape(NSUB, EPT)
    pad_nd = NCH_S * CH - EPT
    pad_d = jnp.full((NSUB, pad_nd), D_TRASH, jnp.int32)
    dsct_src = jnp.concatenate([src, pad_d], 1).reshape(NSUB, NCH_S, CH)
    dsct_dst = jnp.concatenate([dst, pad_d], 1).reshape(NSUB, NCH_S, CH)
    deg_idx = jnp.stack([dsct_src, dsct_dst])
    pad_ng = NCH_GA * CH_A - EPT
    pad_g = jnp.zeros((NSUB, pad_ng), jnp.int32)
    pad_s = jnp.full((NSUB, pad_ng), TRASH, jnp.int32)
    gat_src = jnp.concatenate([src, pad_g], 1).reshape(NSUB, NCH_GA, CH_A)
    sct_dst = jnp.concatenate([dst, pad_s], 1).reshape(NSUB, NCH_GA, CH_A)

    zeros1 = jnp.zeros((D_PAD // NSUB,), jnp.float32)
    zeros2 = jnp.zeros((N_PAD // NSUB, HD), jnp.float32)
    noise = jax.random.normal(jax.random.key(42), (N, H2), dtype=jnp.float32)

    deg0, deg1 = _deg_kernel(deg_idx, zeros1)
    outdeg = deg0[:N].reshape(N, 1)
    indeg = deg1[:N].reshape(N, 1)

    xs2, onorm, inorm = _norms_call(features, outdeg, indeg)
    agg1 = _agg_kernel(xs2, gat_src, sct_dst, zeros2)
    hs2 = _layer1_call(agg1, W1, b1.reshape(1, H1), inorm, onorm)
    agg2 = _agg_kernel(hs2, gat_src, sct_dst, zeros2)
    z = _layer2_call(agg2, W2, W3, b2.reshape(1, H2), b3.reshape(1, H2),
                     inorm, noise)
    return _decoder_call(z, z)

# --- scband reference (transcript-rebuilt; emitter-appended) ---
"""Pipeline reference for scband-gcnmodel-vae-32100585570937 (READ-ONLY COPY).

The authoritative reference and input builder live on the scoring server;
editing this copy changes nothing except your own understanding.
"""

import jax, jax.numpy as jnp
import numpy as np

N = 10000
E = 160000
IN_DIM = 256
H1 = 256
H2 = 128


def setup_inputs(seed: int = 0) -> dict:
    key = jax.random.key(seed)
    ks = jax.random.split(key, 9)
    features = jax.random.normal(ks[0], (N, IN_DIM), dtype=jnp.float32)
    edge_index = jax.random.randint(ks[1], (2, E), 0, N, dtype=jnp.int32)
    # GraphConv weights (glorot-like init)
    W1 = jax.random.normal(ks[2], (IN_DIM, H1), dtype=jnp.float32) * (1.0 / np.sqrt(IN_DIM))
    b1 = jnp.zeros((H1,), dtype=jnp.float32)
    W2 = jax.random.normal(ks[3], (H1, H2), dtype=jnp.float32) * (1.0 / np.sqrt(H1))
    b2 = jnp.zeros((H2,), dtype=jnp.float32)
    W3 = jax.random.normal(ks[4], (H1, H2), dtype=jnp.float32) * (1.0 / np.sqrt(H1))
    b3 = jnp.zeros((H2,), dtype=jnp.float32)
    return {"features": features, "edge_index": edge_index,
            "W1": W1, "b1": b1, "W2": W2, "b2": b2, "W3": W3, "b3": b3}


def _gcn_layer(x, src, dst, out_norm, in_norm, W, b, act):
    # DGL GraphConv, norm='both': D_out^{-1/2} A^T D_in^{-1/2} X W + b
    h = x * out_norm[:, None]
    h = h @ W
    agg = jax.ops.segment_sum(h[src], dst, num_segments=N)
    h = agg * in_norm[:, None] + b
    return act(h)


def reference(features, edge_index, W1, b1, W2, b2, W3, b3):
    src = edge_index[0]
    dst = edge_index[1]
    ones = jnp.ones((E,), dtype=jnp.float32)
    out_deg = jnp.clip(jax.ops.segment_sum(ones, src, num_segments=N), 1.0)
    in_deg = jnp.clip(jax.ops.segment_sum(ones, dst, num_segments=N), 1.0)
    out_norm = out_deg ** -0.5
    in_norm = in_deg ** -0.5
    # encoder (dropout p=0.0 -> identity)
    h = _gcn_layer(features, src, dst, out_norm, in_norm, W1, b1, jax.nn.relu)
    mean = _gcn_layer(h, src, dst, out_norm, in_norm, W2, b2, lambda t: t)
    log_std = _gcn_layer(h, src, dst, out_norm, in_norm, W3, b3, lambda t: t)
    # reparameterization: fixed-key gaussian noise (torch.randn in original)
    noise = jax.random.normal(jax.random.key(42), (N, H2), dtype=jnp.float32)
    z = mean + noise * jnp.exp(log_std)
    # decoder: inner-product reconstruction
    adj_rec = jax.nn.sigmoid(z @ z.T)
    return adj_rec

if __name__ == "__main__":
    import jax
    _d = setup_inputs()
    print(jax.jit(kernel)(*tuple(_d.values())))

</pallas_src>

<mosaic_0001>
#map = affine_map<(d0, d1) -> (0, 0, 0, 0)>
#map1 = affine_map<(d0, d1) -> (0)>
module attributes {stable_mosaic.version = 14 : i64} {
  func.func @_deg_kernel(%arg0: i32, %arg1: i32, %arg2: memref<2x16x81x128xi32, #tpu.memory_space<hbm>>, %arg3: memref<1024xf32, #tpu.memory_space<hbm>>, %arg4: memref<16384xf32, #tpu.memory_space<hbm>>, %arg5: memref<16384xf32, #tpu.memory_space<hbm>>, %arg6: memref<81x128xi32, #tpu.memory_space<vmem>>, %arg7: memref<128xf32, #tpu.memory_space<vmem>>, %arg8: memref<16384xf32, #tpu.memory_space<vmem_shared>>, %arg9: memref<!tpu.dma_semaphore, #tpu.memory_space<semaphore_mem>>) attributes {dimension_semantics = [#tpu.dimension_semantics<core_parallel>, #tpu.dimension_semantics<subcore_parallel>], iteration_bounds = array<i64: 2, 16>, scalar_prefetch = 0 : i64, scratch_operands = 4 : i64, tpu.core_type = #tpu.core_type<sc_vector_subcore>, window_params = [{transform_indices = #map}, {transform_indices = #map1}, {transform_indices = #map1}, {transform_indices = #map1}]} {
    %mul3A = arith.constant 1024 : i32
    %mul3A_0 = arith.muli %arg1, %mul3A : i32
    "tpu.region"() ({
      %run_scoped3A = tpu.sem_alloc : memref<!tpu.dma_semaphore, #tpu.memory_space<semaphore_mem>>
      %dma_start3A = tpu.memref_slice %arg8[%mul3A_0] : memref<16384xf32, #tpu.memory_space<vmem_shared>> -> memref<1024xf32, #tpu.memory_space<vmem_shared>>
      tpu.enqueue_dma source(%arg3 : memref<1024xf32, #tpu.memory_space<hbm>>) target(%dma_start3A : memref<1024xf32, #tpu.memory_space<vmem_shared>>) target_semaphore(%run_scoped3A : memref<!tpu.dma_semaphore, #tpu.memory_space<semaphore_mem>>)
      %dma_wait3A = tpu.memref_slice %arg8[%mul3A_0] : memref<16384xf32, #tpu.memory_space<vmem_shared>> -> memref<1024xf32, #tpu.memory_space<vmem_shared>>
      tpu.wait_dma2 semaphore(%run_scoped3A : memref<!tpu.dma_semaphore, #tpu.memory_space<semaphore_mem>>) src(%arg3 : memref<1024xf32, #tpu.memory_space<hbm>>) dst(%dma_wait3A : memref<1024xf32, #tpu.memory_space<vmem_shared>>)
      tpu.yield
    }) : () -> ()
    "tpu.region"() ({
      %run_scoped3A = tpu.sem_alloc : memref<!tpu.dma_semaphore, #tpu.memory_space<semaphore_mem>>
      %dma_start3A = arith.constant 0 : i32
      %dma_start3A_66 = arith.constant 0 : i32
      %dma_start3A_67 = tpu.memref_slice %arg2[%arg0, %arg1, %dma_start3A, %dma_start3A_66] : memref<2x16x81x128xi32, #tpu.memory_space<hbm>> -> memref<1x1x81x128xi32, #tpu.memory_space<hbm>>
      %dma_start3A_68 = tpu.memref_squeeze %dma_start3A_67 : memref<1x1x81x128xi32, #tpu.memory_space<hbm>> -> memref<81x128xi32, #tpu.memory_space<hbm>>
      %dma_start3A_69 = arith.constant 0 : i32
      %dma_start3A_70 = arith.constant 0 : i32
      %dma_start3A_71 = tpu.memref_slice %arg2[%arg0, %arg1, %dma_start3A_69, %dma_start3A_70] : memref<2x16x81x128xi32, #tpu.memory_space<hbm>> -> memref<1x1x81x128xi32, #tpu.memory_space<hbm>>
      %dma_start3A_72 = tpu.memref_squeeze %dma_start3A_71 : memref<1x1x81x128xi32, #tpu.memory_space<hbm>> -> memref<81x128xi32, #tpu.memory_space<hbm>>
      tpu.enqueue_dma source(%dma_start3A_72 : memref<81x128xi32, #tpu.memory_space<hbm>>) target(%arg6 : memref<81x128xi32, #tpu.memory_space<vmem>>) target_semaphore(%run_scoped3A : memref<!tpu.dma_semaphore, #tpu.memory_space<semaphore_mem>>)
      %dma_wait3A = arith.constant 0 : i32
      %dma_wait3A_73 = arith.constant 0 : i32
      %dma_wait3A_74 = tpu.memref_slice %arg2[%arg0, %arg1, %dma_wait3A, %dma_wait3A_73] : memref<2x16x81x128xi32, #tpu.memory_space<hbm>> -> memref<1x1x81x128xi32, #tpu.memory_space<hbm>>
      %dma_wait3A_75 = tpu.memref_squeeze %dma_wait3A_74 : memref<1x1x81x128xi32, #tpu.memory_space<hbm>> -> memref<81x128xi32, #tpu.memory_space<hbm>>
      %dma_wait3A_76 = arith.constant 0 : i32
      %dma_wait3A_77 = arith.constant 0 : i32
      %dma_wait3A_78 = tpu.memref_slice %arg2[%arg0, %arg1, %dma_wait3A_76, %dma_wait3A_77] : memref<2x16x81x128xi32, #tpu.memory_space<hbm>> -> memref<1x1x81x128xi32, #tpu.memory_space<hbm>>
      %dma_wait3A_79 = tpu.memref_squeeze %dma_wait3A_78 : memref<1x1x81x128xi32, #tpu.memory_space<hbm>> -> memref<81x128xi32, #tpu.memory_space<hbm>>
      tpu.wait_dma2 semaphore(%run_scoped3A : memref<!tpu.dma_semaphore, #tpu.memory_space<semaphore_mem>>) src(%dma_wait3A_79 : memref<81x128xi32, #tpu.memory_space<hbm>>) dst(%arg6 : memref<81x128xi32, #tpu.memory_space<vmem>>)
      tpu.yield
    }) : () -> ()
    %broadcast_in_dim3A = arith.constant 1.000000e+00 : f32
    %broadcast_in_dim3A_1 = vector.broadcast %broadcast_in_dim3A : f32 to vector<16xf32>
    %swap3A = arith.constant 0 : index
    %swap3A_2 = tpu.vector_load %arg7[%swap3A] {strides = array<i32>} : memref<128xf32, #tpu.memory_space<vmem>>, vector<16xf32>,
    %swap3A_3 = vector.shape_cast %swap3A_2 : vector<16xf32> to vector<16xf32>
    %swap3A_4 = vector.shape_cast %broadcast_in_dim3A_1 : vector<16xf32> to vector<16xf32>
    tpu.vector_store %arg7[%swap3A], %swap3A_4 {strides = array<i32>} : memref<128xf32, #tpu.memory_space<vmem>>, vector<16xf32>,
    %broadcast_in_dim3A_5 = arith.constant 1.000000e+00 : f32
    %broadcast_in_dim3A_6 = vector.broadcast %broadcast_in_dim3A_5 : f32 to vector<16xf32>
    %swap3A_7 = arith.constant 16 : index
    %swap3A_8 = tpu.vector_load %arg7[%swap3A_7] {strides = array<i32>} : memref<128xf32, #tpu.memory_space<vmem>>, vector<16xf32>,
    %swap3A_9 = vector.shape_cast %swap3A_8 : vector<16xf32> to vector<16xf32>
    %swap3A_10 = vector.shape_cast %broadcast_in_dim3A_6 : vector<16xf32> to vector<16xf32>
    tpu.vector_store %arg7[%swap3A_7], %swap3A_10 {strides = array<i32>} : memref<128xf32, #tpu.memory_space<vmem>>, vector<16xf32>,
    %broadcast_in_dim3A_11 = arith.constant 1.000000e+00 : f32
    %broadcast_in_dim3A_12 = vector.broadcast %broadcast_in_dim3A_11 : f32 to vector<16xf32>
    %swap3A_13 = arith.constant 32 : index
    %swap3A_14 = tpu.vector_load %arg7[%swap3A_13] {strides = array<i32>} : memref<128xf32, #tpu.memory_space<vmem>>, vector<16xf32>,
    %swap3A_15 = vector.shape_cast %swap3A_14 : vector<16xf32> to vector<16xf32>
    %swap3A_16 = vector.shape_cast %broadcast_in_dim3A_12 : vector<16xf32> to vector<16xf32>
    tpu.vector_store %arg7[%swap3A_13], %swap3A_16 {strides = array<i32>} : memref<128xf32, #tpu.memory_space<vmem>>, vector<16xf32>,
    %broadcast_in_dim3A_17 = arith.constant 1.000000e+00 : f32
    %broadcast_in_dim3A_18 = vector.broadcast %broadcast_in_dim3A_17 : f32 to vector<16xf32>
    %swap3A_19 = arith.constant 48 : index
    %swap3A_20 = tpu.vector_load %arg7[%swap3A_19] {strides = array<i32>} : memref<128xf32, #tpu.memory_space<vmem>>, vector<16xf32>,
    %swap3A_21 = vector.shape_cast %swap3A_20 : vector<16xf32> to vector<16xf32>
    %swap3A_22 = vector.shape_cast %broadcast_in_dim3A_18 : vector<16xf32> to vector<16xf32>
    tpu.vector_store %arg7[%swap3A_19], %swap3A_22 {strides = array<i32>} : memref<128xf32, #tpu.memory_space<vmem>>, vector<16xf32>,
    %broadcast_in_dim3A_23 = arith.constant 1.000000e+00 : f32
    %broadcast_in_dim3A_24 = vector.broadcast %broadcast_in_dim3A_23 : f32 to vector<16xf32>
    %swap3A_25 = arith.constant 64 : index
    %swap3A_26 = tpu.vector_load %arg7[%swap3A_25] {strides = array<i32>} : memref<128xf32, #tpu.memory_space<vmem>>, vector<16xf32>,
    %swap3A_27 = vector.shape_cast %swap3A_26 : vector<16xf32> to vector<16xf32>
    %swap3A_28 = vector.shape_cast %broadcast_in_dim3A_24 : vector<16xf32> to vector<16xf32>
    tpu.vector_store %arg7[%swap3A_25], %swap3A_28 {strides = array<i32>} : memref<128xf32, #tpu.memory_space<vmem>>, vector<16xf32>,
    %broadcast_in_dim3A_29 = arith.constant 1.000000e+00 : f32
    %broadcast_in_dim3A_30 = vector.broadcast %broadcast_in_dim3A_29 : f32 to vector<16xf32>
    %swap3A_31 = arith.constant 80 : index
    %swap3A_32 = tpu.vector_load %arg7[%swap3A_31] {strides = array<i32>} : memref<128xf32, #tpu.memory_space<vmem>>, vector<16xf32>,
    %swap3A_33 = vector.shape_cast %swap3A_32 : vector<16xf32> to vector<16xf32>
    %swap3A_34 = vector.shape_cast %broadcast_in_dim3A_30 : vector<16xf32> to vector<16xf32>
    tpu.vector_store %arg7[%swap3A_31], %swap3A_34 {strides = array<i32>} : memref<128xf32, #tpu.memory_space<vmem>>, vector<16xf32>,
    %broadcast_in_dim3A_35 = arith.constant 1.000000e+00 : f32
    %broadcast_in_dim3A_36 = vector.broadcast %broadcast_in_dim3A_35 : f32 to vector<16xf32>
    %swap3A_37 = arith.constant 96 : index
    %swap3A_38 = tpu.vector_load %arg7[%swap3A_37] {strides = array<i32>} : memref<128xf32, #tpu.memory_space<vmem>>, vector<16xf32>,
    %swap3A_39 = vector.shape_cast %swap3A_38 : vector<16xf32> to vector<16xf32>
    %swap3A_40 = vector.shape_cast %broadcast_in_dim3A_36 : vector<16xf32> to vector<16xf32>
    tpu.vector_store %arg7[%swap3A_37], %swap3A_40 {strides = array<i32>} : memref<128xf32, #tpu.memory_space<vmem>>, vector<16xf32>,
    %broadcast_in_dim3A_41 = arith.constant 1.000000e+00 : f32
    %broadcast_in_dim3A_42 = vector.broadcast %broadcast_in_dim3A_41 : f32 to vector<16xf32>
    %swap3A_43 = arith.constant 112 : index
    %swap3A_44 = tpu.vector_load %arg7[%swap3A_43] {strides = array<i32>} : memref<128xf32, #tpu.memory_space<vmem>>, vector<16xf32>,
    %swap3A_45 = vector.shape_cast %swap3A_44 : vector<16xf32> to vector<16xf32>
    %swap3A_46 = vector.shape_cast %broadcast_in_dim3A_42 : vector<16xf32> to vector<16xf32>
    tpu.vector_store %arg7[%swap3A_43], %swap3A_46 {strides = array<i32>} : memref<128xf32, #tpu.memory_space<vmem>>, vector<16xf32>,
    %barrier3A = arith.constant 0 : index
    tpu.barrier barrier_id(%barrier3A)
    %scan3A = arith.constant 0 : i32
    %scan3A_47 = arith.constant 0 : i32
    %scan3A_48 = arith.constant 81 : i32
    %scan3A_49 = arith.addi %scan3A_47, %scan3A_48 : i32
    %scan3A_50 = arith.constant 1 : i32
    scf.for %scan3A_66 = %scan3A_47 to %scan3A_49 step %scan3A_50  : i32 {
      %dma_start3A = arith.constant 0 : i32
      %dma_start3A_67 = tpu.memref_slice %arg6[%scan3A_66, %dma_start3A] : memref<81x128xi32, #tpu.memory_space<vmem>> -> memref<1x128xi32, #tpu.memory_space<vmem>>
      %dma_start3A_68 = tpu.memref_squeeze %dma_start3A_67 : memref<1x128xi32, #tpu.memory_space<vmem>> -> memref<128xi32, #tpu.memory_space<vmem>>
      %dma_start3A_69 = arith.constant 0 : i32
      %dma_start3A_70 = tpu.memref_slice %arg8[%dma_start3A_69] : memref<16384xf32, #tpu.memory_space<vmem_shared>> -> memref<16384xf32, #tpu.memory_space<vmem_shared>>
      tpu.enqueue_indirect_dma source(%arg7 : memref<128xf32, #tpu.memory_space<vmem>>) target(%dma_start3A_70 : memref<16384xf32, #tpu.memory_space<vmem_shared>>) offsets(%dma_start3A_68 : memref<128xi32, #tpu.memory_space<vmem>>) semaphore(%arg9 : memref<!tpu.dma_semaphore, #tpu.memory_space<semaphore_mem>>) {add = true}
    }
    %scan3A_51 = arith.constant 81 : i32
    %scan3A_52 = arith.constant 0 : i32
    %scan3A_53 = arith.constant 0 : i32
    %scan3A_54 = arith.constant 81 : i32
    %scan3A_55 = arith.addi %scan3A_53, %scan3A_54 : i32
    %scan3A_56 = arith.constant 1 : i32
    scf.for %scan3A_66 = %scan3A_53 to %scan3A_55 step %scan3A_56  : i32 {
      %dma_wait3A = arith.constant 0 : i32
      %dma_wait3A_67 = tpu.memref_slice %arg6[%scan3A_66, %dma_wait3A] : memref<81x128xi32, #tpu.memory_space<vmem>> -> memref<1x128xi32, #tpu.memory_space<vmem>>
      %dma_wait3A_68 = tpu.memref_squeeze %dma_wait3A_67 : memref<1x128xi32, #tpu.memory_space<vmem>> -> memref<128xi32, #tpu.memory_space<vmem>>
      %dma_wait3A_69 = arith.constant 0 : i32
      %dma_wait3A_70 = tpu.memref_slice %arg8[%dma_wait3A_69] : memref<16384xf32, #tpu.memory_space<vmem_shared>> -> memref<16384xf32, #tpu.memory_space<vmem_shared>>
      tpu.wait_indirect_dma semaphore(%arg9 : memref<!tpu.dma_semaphore, #tpu.memory_space<semaphore_mem>>) src(%arg7 : memref<128xf32, #tpu.memory_space<vmem>>) dst(%dma_wait3A_70 : memref<16384xf32, #tpu.memory_space<vmem_shared>>)
    }
    %scan3A_57 = arith.constant 81 : i32
    %barrier3A_58 = arith.constant 0 : index
    tpu.barrier barrier_id(%barrier3A_58)
    %eq3A = arith.constant 0 : i32
    %eq3A_59 = arith.cmpi eq, %arg0, %eq3A : i32
    %convert_element_type3A = arith.extui %eq3A_59 : i1 to i32
    %cond3A = arith.constant 0 : i32
    %cond3A_60 = arith.cmpi ne, %convert_element_type3A, %cond3A : i32
    scf.if %cond3A_60 {
      %mul3A_66 = arith.constant 1024 : i32
      %mul3A_67 = arith.muli %arg1, %mul3A_66 : i32
      %mul3A_68 = arith.constant 1024 : i32
      %mul3A_69 = arith.muli %arg1, %mul3A_68 : i32
      "tpu.region"() ({
        %run_scoped3A = tpu.sem_alloc : memref<!tpu.dma_semaphore, #tpu.memory_space<semaphore_mem>>
        %dma_start3A = tpu.memref_slice %arg4[%mul3A_69] : memref<16384xf32, #tpu.memory_space<hbm>> -> memref<1024xf32, #tpu.memory_space<hbm>>
        %dma_start3A_70 = tpu.memref_slice %arg8[%mul3A_67] : memref<16384xf32, #tpu.memory_space<vmem_shared>> -> memref<1024xf32, #tpu.memory_space<vmem_shared>>
        tpu.enqueue_dma source(%dma_start3A_70 : memref<1024xf32, #tpu.memory_space<vmem_shared>>) target(%dma_start3A : memref<1024xf32, #tpu.memory_space<hbm>>) target_semaphore(%run_scoped3A : memref<!tpu.dma_semaphore, #tpu.memory_space<semaphore_mem>>)
        %dma_wait3A = tpu.memref_slice %arg4[%mul3A_69] : memref<16384xf32, #tpu.memory_space<hbm>> -> memref<1024xf32, #tpu.memory_space<hbm>>
        %dma_wait3A_71 = tpu.memref_slice %arg8[%mul3A_67] : memref<16384xf32, #tpu.memory_space<vmem_shared>> -> memref<1024xf32, #tpu.memory_space<vmem_shared>>
        tpu.wait_dma2 semaphore(%run_scoped3A : memref<!tpu.dma_semaphore, #tpu.memory_space<semaphore_mem>>) src(%dma_wait3A_71 : memref<1024xf32, #tpu.memory_space<vmem_shared>>) dst(%dma_wait3A : memref<1024xf32, #tpu.memory_space<hbm>>)
        tpu.yield
      }) : () -> ()
    } else {
    }
    %eq3A_61 = arith.constant 1 : i32
    %eq3A_62 = arith.cmpi eq, %arg0, %eq3A_61 : i32
    %convert_element_type3A_63 = arith.extui %eq3A_62 : i1 to i32
    %cond3A_64 = arith.constant 0 : i32
    %cond3A_65 = arith.cmpi ne, %convert_element_type3A_63, %cond3A_64 : i32
    scf.if %cond3A_65 {
      %mul3A_66 = arith.constant 1024 : i32
      %mul3A_67 = arith.muli %arg1, %mul3A_66 : i32
      %mul3A_68 = arith.constant 1024 : i32
      %mul3A_69 = arith.muli %arg1, %mul3A_68 : i32
      "tpu.region"() ({
        %run_scoped3A = tpu.sem_alloc : memref<!tpu.dma_semaphore, #tpu.memory_space<semaphore_mem>>
        %dma_start3A = tpu.memref_slice %arg5[%mul3A_69] : memref<16384xf32, #tpu.memory_space<hbm>> -> memref<1024xf32, #tpu.memory_space<hbm>>
        %dma_start3A_70 = tpu.memref_slice %arg8[%mul3A_67] : memref<16384xf32, #tpu.memory_space<vmem_shared>> -> memref<1024xf32, #tpu.memory_space<vmem_shared>>
        tpu.enqueue_dma source(%dma_start3A_70 : memref<1024xf32, #tpu.memory_space<vmem_shared>>) target(%dma_start3A : memref<1024xf32, #tpu.memory_space<hbm>>) target_semaphore(%run_scoped3A : memref<!tpu.dma_semaphore, #tpu.memory_space<semaphore_mem>>)
        %dma_wait3A = tpu.memref_slice %arg5[%mul3A_69] : memref<16384xf32, #tpu.memory_space<hbm>> -> memref<1024xf32, #tpu.memory_space<hbm>>
        %dma_wait3A_71 = tpu.memref_slice %arg8[%mul3A_67] : memref<16384xf32, #tpu.memory_space<vmem_shared>> -> memref<1024xf32, #tpu.memory_space<vmem_shared>>
        tpu.wait_dma2 semaphore(%run_scoped3A : memref<!tpu.dma_semaphore, #tpu.memory_space<semaphore_mem>>) src(%dma_wait3A_71 : memref<1024xf32, #tpu.memory_space<vmem_shared>>) dst(%dma_wait3A : memref<1024xf32, #tpu.memory_space<hbm>>)
        tpu.yield
      }) : () -> ()
    } else {
    }
    return
  }
}

#map = affine_map<(d0, d1) -> (0, 0, 0)>
#map1 = affine_map<(d0, d1) -> (0, 0)>
module attributes {stable_mosaic.version = 14 : i64} {
  func.func @_agg_kernel(%arg0: i32, %arg1: i32, %arg2: memref<2x10000x128xf32, #tpu.memory_space<hbm>>, %arg3: memref<16x82x128xi32, #tpu.memory_space<hbm>>, %arg4: memref<16x82x128xi32, #tpu.memory_space<hbm>>, %arg5: memref<632x128xf32, #tpu.memory_space<hbm>>, %arg6: memref<2x10112x128xf32, #tpu.memory_space<hbm>>, %arg7: memref<82x128xi32, #tpu.memory_space<vmem>>, %arg8: memref<2x128xi32, #tpu.memory_space<vmem>>, %arg9: memref<2x128x128xf32, #tpu.memory_space<vmem>>, %arg10: memref<10112x128xf32, #tpu.memory_space<vmem_shared>>, %arg11: memref<!tpu.dma_semaphore, #tpu.memory_space<semaphore_mem>>, %arg12: memref<!tpu.dma_semaphore, #tpu.memory_space<semaphore_mem>>, %arg13: memref<!tpu.dma_semaphore, #tpu.memory_space<semaphore_mem>>, %arg14: memref<!tpu.dma_semaphore, #tpu.memory_space<semaphore_mem>>, %arg15: memref<!tpu.dma_semaphore, #tpu.memory_space<semaphore_mem>>) attributes {dimension_semantics = [#tpu.dimension_semantics<core_parallel>, #tpu.dimension_semantics<subcore_parallel>], iteration_bounds = array<i64: 2, 16>, scalar_prefetch = 0 : i64, scratch_operands = 9 : i64, tpu.core_type = #tpu.core_type<sc_vector_subcore>, window_params = [{transform_indices = #map}, {transform_indices = #map}, {transform_indices = #map}, {transform_indices = #map1}, {transform_indices = #map}]} {
    %mul3A = arith.constant 632 : i32
    %mul3A_0 = arith.muli %arg1, %mul3A : i32
    "tpu.region"() ({
      %run_scoped3A = tpu.sem_alloc : memref<!tpu.dma_semaphore, #tpu.memory_space<semaphore_mem>>
      %dma_start3A_129 = arith.constant 0 : i32
      %dma_start3A_130 = tpu.memref_slice %arg10[%mul3A_0, %dma_start3A_129] : memref<10112x128xf32, #tpu.memory_space<vmem_shared>> -> memref<632x128xf32, #tpu.memory_space<vmem_shared>>
      tpu.enqueue_dma source(%arg5 : memref<632x128xf32, #tpu.memory_space<hbm>>) target(%dma_start3A_130 : memref<632x128xf32, #tpu.memory_space<vmem_shared>>) target_semaphore(%run_scoped3A : memref<!tpu.dma_semaphore, #tpu.memory_space<semaphore_mem>>)
      %dma_wait3A_131 = arith.constant 0 : i32
      %dma_wait3A_132 = tpu.memref_slice %arg10[%mul3A_0, %dma_wait3A_131] : memref<10112x128xf32, #tpu.memory_space<vmem_shared>> -> memref<632x128xf32, #tpu.memory_space<vmem_shared>>
      tpu.wait_dma2 semaphore(%run_scoped3A : memref<!tpu.dma_semaphore, #tpu.memory_space<semaphore_mem>>) src(%arg5 : memref<632x128xf32, #tpu.memory_space<hbm>>) dst(%dma_wait3A_132 : memref<632x128xf32, #tpu.memory_space<vmem_shared>>)
      tpu.yield
    }) : () -> ()
    "tpu.region"() ({
      %run_scoped3A = tpu.sem_alloc : memref<!tpu.dma_semaphore, #tpu.memory_space<semaphore_mem>>
      %dma_start3A_129 = arith.constant 0 : i32
      %dma_start3A_130 = arith.constant 0 : i32
      %dma_start3A_131 = tpu.memref_slice %arg3[%arg1, %dma_start3A_129, %dma_start3A_130] : memref<16x82x128xi32, #tpu.memory_space<hbm>> -> memref<1x82x128xi32, #tpu.memory_space<hbm>>
      %dma_start3A_132 = tpu.memref_squeeze %dma_start3A_131 : memref<1x82x128xi32, #tpu.memory_space<hbm>> -> memref<82x128xi32, #tpu.memory_space<hbm>>
      %dma_start3A_133 = arith.constant 0 : i32
      %dma_start3A_134 = arith.constant 0 : i32
      %dma_start3A_135 = tpu.memref_slice %arg3[%arg1, %dma_start3A_133, %dma_start3A_134] : memref<16x82x128xi32, #tpu.memory_space<hbm>> -> memref<1x82x128xi32, #tpu.memory_space<hbm>>
      %dma_start3A_136 = tpu.memref_squeeze %dma_start3A_135 : memref<1x82x128xi32, #tpu.memory_space<hbm>> -> memref<82x128xi32, #tpu.memory_space<hbm>>
      tpu.enqueue_dma source(%dma_start3A_136 : memref<82x128xi32, #tpu.memory_space<hbm>>) target(%arg7 : memref<82x128xi32, #tpu.memory_space<vmem>>) target_semaphore(%run_scoped3A : memref<!tpu.dma_semaphore, #tpu.memory_space<semaphore_mem>>)
      %dma_wait3A_137 = arith.constant 0 : i32
      %dma_wait3A_138 = arith.constant 0 : i32
      %dma_wait3A_139 = tpu.memref_slice %arg3[%arg1, %dma_wait3A_137, %dma_wait3A_138] : memref<16x82x128xi32, #tpu.memory_space<hbm>> -> memref<1x82x128xi32, #tpu.memory_space<hbm>>
      %dma_wait3A_140 = tpu.memref_squeeze %dma_wait3A_139 : memref<1x82x128xi32, #tpu.memory_space<hbm>> -> memref<82x128xi32, #tpu.memory_space<hbm>>
      %dma_wait3A_141 = arith.constant 0 : i32
      %dma_wait3A_142 = arith.constant 0 : i32
      %dma_wait3A_143 = tpu.memref_slice %arg3[%arg1, %dma_wait3A_141, %dma_wait3A_142] : memref<16x82x128xi32, #tpu.memory_space<hbm>> -> memref<1x82x128xi32, #tpu.memory_space<hbm>>
      %dma_wait3A_144 = tpu.memref_squeeze %dma_wait3A_143 : memref<1x82x128xi32, #tpu.memory_space<hbm>> -> memref<82x128xi32, #tpu.memory_space<hbm>>
      tpu.wait_dma2 semaphore(%run_scoped3A : memref<!tpu.dma_semaphore, #tpu.memory_space<semaphore_mem>>) src(%dma_wait3A_144 : memref<82x128xi32, #tpu.memory_space<hbm>>) dst(%arg7 : memref<82x128xi32, #tpu.memory_space<vmem>>)
      tpu.yield
    }) : () -> ()
    %barrier3A = arith.constant 0 : index
    tpu.barrier barrier_id(%barrier3A)
    %dma_start3A = arith.constant 0 : i32
    %dma_start3A_1 = arith.constant 0 : i32
    %dma_start3A_2 = arith.constant 0 : i32
    %dma_start3A_3 = tpu.memref_slice %arg8[%dma_start3A_1, %dma_start3A_2] : memref<2x128xi32, #tpu.memory_space<vmem>> -> memref<1x128xi32, #tpu.memory_space<vmem>>
    %dma_start3A_4 = tpu.memref_squeeze %dma_start3A_3 : memref<1x128xi32, #tpu.memory_space<vmem>> -> memref<128xi32, #tpu.memory_space<vmem>>
    %dma_start3A_5 = arith.constant 0 : i32
    %dma_start3A_6 = tpu.memref_slice %arg4[%arg1, %dma_start3A, %dma_start3A_5] : memref<16x82x128xi32, #tpu.memory_space<hbm>> -> memref<1x1x128xi32, #tpu.memory_space<hbm>>
    %dma_start3A_7 = tpu.memref_squeeze %dma_start3A_6 : memref<1x1x128xi32, #tpu.memory_space<hbm>> -> memref<128xi32, #tpu.memory_space<hbm>>
    %dma_start3A_8 = arith.constant 0 : i32
    %dma_start3A_9 = tpu.memref_slice %arg8[%dma_start3A_1, %dma_start3A_8] : memref<2x128xi32, #tpu.memory_space<vmem>> -> memref<1x128xi32, #tpu.memory_space<vmem>>
    %dma_start3A_10 = tpu.memref_squeeze %dma_start3A_9 : memref<1x128xi32, #tpu.memory_space<vmem>> -> memref<128xi32, #tpu.memory_space<vmem>>
    %dma_start3A_11 = arith.constant 0 : i32
    %dma_start3A_12 = tpu.memref_slice %arg4[%arg1, %dma_start3A, %dma_start3A_11] : memref<16x82x128xi32, #tpu.memory_space<hbm>> -> memref<1x1x128xi32, #tpu.memory_space<hbm>>
    %dma_start3A_13 = tpu.memref_squeeze %dma_start3A_12 : memref<1x1x128xi32, #tpu.memory_space<hbm>> -> memref<128xi32, #tpu.memory_space<hbm>>
    tpu.enqueue_dma source(%dma_start3A_13 : memref<128xi32, #tpu.memory_space<hbm>>) target(%dma_start3A_10 : memref<128xi32, #tpu.memory_space<vmem>>) target_semaphore(%arg13 : memref<!tpu.dma_semaphore, #tpu.memory_space<semaphore_mem>>)
    %dma_start3A_14 = arith.constant 0 : i32
    %dma_start3A_15 = arith.constant 0 : i32
    %dma_start3A_16 = arith.constant 0 : i32
    %dma_start3A_17 = arith.constant 0 : i32
    %dma_start3A_18 = tpu.memref_slice %arg9[%dma_start3A_15, %dma_start3A_16, %dma_start3A_17] : memref<2x128x128xf32, #tpu.memory_space<vmem>> -> memref<1x128x128xf32, #tpu.memory_space<vmem>>
    %dma_start3A_19 = tpu.memref_squeeze %dma_start3A_18 : memref<1x128x128xf32, #tpu.memory_space<vmem>> -> memref<128x128xf32, #tpu.memory_space<vmem>>
    %dma_start3A_20 = arith.constant 0 : i32
    %dma_start3A_21 = tpu.memref_slice %arg7[%dma_start3A_14, %dma_start3A_20] : memref<82x128xi32, #tpu.memory_space<vmem>> -> memref<1x128xi32, #tpu.memory_space<vmem>>
    %dma_start3A_22 = tpu.memref_squeeze %dma_start3A_21 : memref<1x128xi32, #tpu.memory_space<vmem>> -> memref<128xi32, #tpu.memory_space<vmem>>
    %dma_start3A_23 = arith.constant 0 : i32
    %dma_start3A_24 = arith.constant 0 : i32
    %dma_start3A_25 = tpu.memref_slice %arg2[%arg0, %dma_start3A_23, %dma_start3A_24] : memref<2x10000x128xf32, #tpu.memory_space<hbm>> -> memref<1x10000x128xf32, #tpu.memory_space<hbm>>
    %dma_start3A_26 = tpu.memref_squeeze %dma_start3A_25 : memref<1x10000x128xf32, #tpu.memory_space<hbm>> -> memref<10000x128xf32, #tpu.memory_space<hbm>>
    %dma_start3A_27 = arith.constant 0 : i32
    %dma_start3A_28 = arith.constant 0 : i32
    %dma_start3A_29 = tpu.memref_slice %dma_start3A_26[%dma_start3A_27, %dma_start3A_28] : memref<10000x128xf32, #tpu.memory_space<hbm>> -> memref<10000x128xf32, #tpu.memory_space<hbm>>
    tpu.enqueue_indirect_dma source(%dma_start3A_29 : memref<10000x128xf32, #tpu.memory_space<hbm>>) target(%dma_start3A_19 : memref<128x128xf32, #tpu.memory_space<vmem>>) offsets(%dma_start3A_22 : memref<128xi32, #tpu.memory_space<vmem>>) semaphore(%arg11 : memref<!tpu.dma_semaphore, #tpu.memory_space<semaphore_mem>>)
    %dma_start3A_30 = arith.constant 1 : i32
    %dma_start3A_31 = arith.constant 1 : i32
    %dma_start3A_32 = arith.constant 0 : i32
    %dma_start3A_33 = tpu.memref_slice %arg8[%dma_start3A_31, %dma_start3A_32] : memref<2x128xi32, #tpu.memory_space<vmem>> -> memref<1x128xi32, #tpu.memory_space<vmem>>
    %dma_start3A_34 = tpu.memref_squeeze %dma_start3A_33 : memref<1x128xi32, #tpu.memory_space<vmem>> -> memref<128xi32, #tpu.memory_space<vmem>>
    %dma_start3A_35 = arith.constant 0 : i32
    %dma_start3A_36 = tpu.memref_slice %arg4[%arg1, %dma_start3A_30, %dma_start3A_35] : memref<16x82x128xi32, #tpu.memory_space<hbm>> -> memref<1x1x128xi32, #tpu.memory_space<hbm>>
    %dma_start3A_37 = tpu.memref_squeeze %dma_start3A_36 : memref<1x1x128xi32, #tpu.memory_space<hbm>> -> memref<128xi32, #tpu.memory_space<hbm>>
    %dma_start3A_38 = arith.constant 0 : i32
    %dma_start3A_39 = tpu.memref_slice %arg8[%dma_start3A_31, %dma_start3A_38] : memref<2x128xi32, #tpu.memory_space<vmem>> -> memref<1x128xi32, #tpu.memory_space<vmem>>
    %dma_start3A_40 = tpu.memref_squeeze %dma_start3A_39 : memref<1x128xi32, #tpu.memory_space<vmem>> -> memref<128xi32, #tpu.memory_space<vmem>>
    %dma_start3A_41 = arith.constant 0 : i32
    %dma_start3A_42 = tpu.memref_slice %arg4[%arg1, %dma_start3A_30, %dma_start3A_41] : memref<16x82x128xi32, #tpu.memory_space<hbm>> -> memref<1x1x128xi32, #tpu.memory_space<hbm>>
    %dma_start3A_43 = tpu.memref_squeeze %dma_start3A_42 : memref<1x1x128xi32, #tpu.memory_space<hbm>> -> memref<128xi32, #tpu.memory_space<hbm>>
    tpu.enqueue_dma source(%dma_start3A_43 : memref<128xi32, #tpu.memory_space<hbm>>) target(%dma_start3A_40 : memref<128xi32, #tpu.memory_space<vmem>>) target_semaphore(%arg14 : memref<!tpu.dma_semaphore, #tpu.memory_space<semaphore_mem>>)
    %dma_start3A_44 = arith.constant 1 : i32
    %dma_start3A_45 = arith.constant 1 : i32
    %dma_start3A_46 = arith.constant 0 : i32
    %dma_start3A_47 = arith.constant 0 : i32
    %dma_start3A_48 = tpu.memref_slice %arg9[%dma_start3A_45, %dma_start3A_46, %dma_start3A_47] : memref<2x128x128xf32, #tpu.memory_space<vmem>> -> memref<1x128x128xf32, #tpu.memory_space<vmem>>
    %dma_start3A_49 = tpu.memref_squeeze %dma_start3A_48 : memref<1x128x128xf32, #tpu.memory_space<vmem>> -> memref<128x128xf32, #tpu.memory_space<vmem>>
    %dma_start3A_50 = arith.constant 0 : i32
    %dma_start3A_51 = tpu.memref_slice %arg7[%dma_start3A_44, %dma_start3A_50] : memref<82x128xi32, #tpu.memory_space<vmem>> -> memref<1x128xi32, #tpu.memory_space<vmem>>
    %dma_start3A_52 = tpu.memref_squeeze %dma_start3A_51 : memref<1x128xi32, #tpu.memory_space<vmem>> -> memref<128xi32, #tpu.memory_space<vmem>>
    %dma_start3A_53 = arith.constant 0 : i32
    %dma_start3A_54 = arith.constant 0 : i32
    %dma_start3A_55 = tpu.memref_slice %arg2[%arg0, %dma_start3A_53, %dma_start3A_54] : memref<2x10000x128xf32, #tpu.memory_space<hbm>> -> memref<1x10000x128xf32, #tpu.memory_space<hbm>>
    %dma_start3A_56 = tpu.memref_squeeze %dma_start3A_55 : memref<1x10000x128xf32, #tpu.memory_space<hbm>> -> memref<10000x128xf32, #tpu.memory_space<hbm>>
    %dma_start3A_57 = arith.constant 0 : i32
    %dma_start3A_58 = arith.constant 0 : i32
    %dma_start3A_59 = tpu.memref_slice %dma_start3A_56[%dma_start3A_57, %dma_start3A_58] : memref<10000x128xf32, #tpu.memory_space<hbm>> -> memref<10000x128xf32, #tpu.memory_space<hbm>>
    tpu.enqueue_indirect_dma source(%dma_start3A_59 : memref<10000x128xf32, #tpu.memory_space<hbm>>) target(%dma_start3A_49 : memref<128x128xf32, #tpu.memory_space<vmem>>) offsets(%dma_start3A_52 : memref<128xi32, #tpu.memory_space<vmem>>) semaphore(%arg12 : memref<!tpu.dma_semaphore, #tpu.memory_space<semaphore_mem>>)
    %scan3A = arith.constant 0 : i32
    %scan3A_60 = arith.constant 0 : i32
    %scan3A_61 = arith.constant 40 : i32
    %scan3A_62 = arith.addi %scan3A_60, %scan3A_61 : i32
    %scan3A_63 = arith.constant 1 : i32
    scf.for %scan3A_129 = %scan3A_60 to %scan3A_62 step %scan3A_63  : i32 {
      %mul3A_130 = arith.constant 2 : i32
      %mul3A_131 = arith.muli %scan3A_129, %mul3A_130 : i32
      %add3A = arith.constant 0 : i32
      %add3A_132 = arith.addi %mul3A_131, %add3A : i32
      %dma_wait3A_133 = arith.constant 0 : i32
      %dma_wait3A_134 = arith.constant 0 : i32
      %dma_wait3A_135 = arith.constant 0 : i32
      %dma_wait3A_136 = tpu.memref_slice %arg9[%dma_wait3A_133, %dma_wait3A_134, %dma_wait3A_135] : memref<2x128x128xf32, #tpu.memory_space<vmem>> -> memref<1x128x128xf32, #tpu.memory_space<vmem>>
      %dma_wait3A_137 = tpu.memref_squeeze %dma_wait3A_136 : memref<1x128x128xf32, #tpu.memory_space<vmem>> -> memref<128x128xf32, #tpu.memory_space<vmem>>
      %dma_wait3A_138 = arith.constant 0 : i32
      %dma_wait3A_139 = tpu.memref_slice %arg7[%add3A_132, %dma_wait3A_138] : memref<82x128xi32, #tpu.memory_space<vmem>> -> memref<1x128xi32, #tpu.memory_space<vmem>>
      %dma_wait3A_140 = tpu.memref_squeeze %dma_wait3A_139 : memref<1x128xi32, #tpu.memory_space<vmem>> -> memref<128xi32, #tpu.memory_space<vmem>>
      %dma_wait3A_141 = arith.constant 0 : i32
      %dma_wait3A_142 = arith.constant 0 : i32
      %dma_wait3A_143 = tpu.memref_slice %arg2[%arg0, %dma_wait3A_141, %dma_wait3A_142] : memref<2x10000x128xf32, #tpu.memory_space<hbm>> -> memref<1x10000x128xf32, #tpu.memory_space<hbm>>
      %dma_wait3A_144 = tpu.memref_squeeze %dma_wait3A_143 : memref<1x10000x128xf32, #tpu.memory_space<hbm>> -> memref<10000x128xf32, #tpu.memory_space<hbm>>
      %dma_wait3A_145 = arith.constant 0 : i32
      %dma_wait3A_146 = arith.constant 0 : i32
      %dma_wait3A_147 = tpu.memref_slice %dma_wait3A_144[%dma_wait3A_145, %dma_wait3A_146] : memref<10000x128xf32, #tpu.memory_space<hbm>> -> memref<10000x128xf32, #tpu.memory_space<hbm>>
      tpu.wait_indirect_dma semaphore(%arg11 : memref<!tpu.dma_semaphore, #tpu.memory_space<semaphore_mem>>) src(%dma_wait3A_147 : memref<10000x128xf32, #tpu.memory_space<hbm>>) dst(%dma_wait3A_137 : memref<128x128xf32, #tpu.memory_space<vmem>>)
      %dma_wait3A_148 = arith.constant 0 : i32
      %dma_wait3A_149 = arith.constant 0 : i32
      %dma_wait3A_150 = tpu.memref_slice %arg8[%dma_wait3A_148, %dma_wait3A_149] : memref<2x128xi32, #tpu.memory_space<vmem>> -> memref<1x128xi32, #tpu.memory_space<vmem>>
      %dma_wait3A_151 = tpu.memref_squeeze %dma_wait3A_150 : memref<1x128xi32, #tpu.memory_space<vmem>> -> memref<128xi32, #tpu.memory_space<vmem>>
      %dma_wait3A_152 = arith.constant 0 : i32
      %dma_wait3A_153 = tpu.memref_slice %arg4[%arg1, %add3A_132, %dma_wait3A_152] : memref<16x82x128xi32, #tpu.memory_space<hbm>> -> memref<1x1x128xi32, #tpu.memory_space<hbm>>
      %dma_wait3A_154 = tpu.memref_squeeze %dma_wait3A_153 : memref<1x1x128xi32, #tpu.memory_space<hbm>> -> memref<128xi32, #tpu.memory_space<hbm>>
      %dma_wait3A_155 = arith.constant 0 : i32
      %dma_wait3A_156 = tpu.memref_slice %arg8[%dma_wait3A_148, %dma_wait3A_155] : memref<2x128xi32, #tpu.memory_space<vmem>> -> memref<1x128xi32, #tpu.memory_space<vmem>>
      %dma_wait3A_157 = tpu.memref_squeeze %dma_wait3A_156 : memref<1x128xi32, #tpu.memory_space<vmem>> -> memref<128xi32, #tpu.memory_space<vmem>>
      %dma_wait3A_158 = arith.constant 0 : i32
      %dma_wait3A_159 = tpu.memref_slice %arg4[%arg1, %add3A_132, %dma_wait3A_158] : memref<16x82x128xi32, #tpu.memory_space<hbm>> -> memref<1x1x128xi32, #tpu.memory_space<hbm>>
      %dma_wait3A_160 = tpu.memref_squeeze %dma_wait3A_159 : memref<1x1x128xi32, #tpu.memory_space<hbm>> -> memref<128xi32, #tpu.memory_space<hbm>>
      tpu.wait_dma2 semaphore(%arg13 : memref<!tpu.dma_semaphore, #tpu.memory_space<semaphore_mem>>) src(%dma_wait3A_160 : memref<128xi32, #tpu.memory_space<hbm>>) dst(%dma_wait3A_157 : memref<128xi32, #tpu.memory_space<vmem>>)
      %dma_start3A_161 = arith.constant 0 : i32
      %dma_start3A_162 = arith.constant 0 : i32
      %dma_start3A_163 = arith.constant 0 : i32
      %dma_start3A_164 = arith.constant 0 : i32
      %dma_start3A_165 = tpu.memref_slice %arg9[%dma_start3A_161, %dma_start3A_163, %dma_start3A_164] : memref<2x128x128xf32, #tpu.memory_space<vmem>> -> memref<1x128x128xf32, #tpu.memory_space<vmem>>
      %dma_start3A_166 = tpu.memref_squeeze %dma_start3A_165 : memref<1x128x128xf32, #tpu.memory_space<vmem>> -> memref<128x128xf32, #tpu.memory_space<vmem>>
      %dma_start3A_167 = arith.constant 0 : i32
      %dma_start3A_168 = tpu.memref_slice %arg8[%dma_start3A_162, %dma_start3A_167] : memref<2x128xi32, #tpu.memory_space<vmem>> -> memref<1x128xi32, #tpu.memory_space<vmem>>
      %dma_start3A_169 = tpu.memref_squeeze %dma_start3A_168 : memref<1x128xi32, #tpu.memory_space<vmem>> -> memref<128xi32, #tpu.memory_space<vmem>>
      %dma_start3A_170 = arith.constant 0 : i32
      %dma_start3A_171 = arith.constant 0 : i32
      %dma_start3A_172 = tpu.memref_slice %arg10[%dma_start3A_170, %dma_start3A_171] : memref<10112x128xf32, #tpu.memory_space<vmem_shared>> -> memref<10112x128xf32, #tpu.memory_space<vmem_shared>>
      tpu.enqueue_indirect_dma source(%dma_start3A_166 : memref<128x128xf32, #tpu.memory_space<vmem>>) target(%dma_start3A_172 : memref<10112x128xf32, #tpu.memory_space<vmem_shared>>) offsets(%dma_start3A_169 : memref<128xi32, #tpu.memory_space<vmem>>) semaphore(%arg15 : memref<!tpu.dma_semaphore, #tpu.memory_space<semaphore_mem>>) {add = true}
      %dma_wait3A_173 = arith.constant 0 : i32
      %dma_wait3A_174 = arith.constant 0 : i32
      %dma_wait3A_175 = arith.constant 0 : i32
      %dma_wait3A_176 = arith.constant 0 : i32
      %dma_wait3A_177 = tpu.memref_slice %arg9[%dma_wait3A_173, %dma_wait3A_175, %dma_wait3A_176] : memref<2x128x128xf32, #tpu.memory_space<vmem>> -> memref<1x128x128xf32, #tpu.memory_space<vmem>>
      %dma_wait3A_178 = tpu.memref_squeeze %dma_wait3A_177 : memref<1x128x128xf32, #tpu.memory_space<vmem>> -> memref<128x128xf32, #tpu.memory_space<vmem>>
      %dma_wait3A_179 = arith.constant 0 : i32
      %dma_wait3A_180 = tpu.memref_slice %arg8[%dma_wait3A_174, %dma_wait3A_179] : memref<2x128xi32, #tpu.memory_space<vmem>> -> memref<1x128xi32, #tpu.memory_space<vmem>>
      %dma_wait3A_181 = tpu.memref_squeeze %dma_wait3A_180 : memref<1x128xi32, #tpu.memory_space<vmem>> -> memref<128xi32, #tpu.memory_space<vmem>>
      %dma_wait3A_182 = arith.constant 0 : i32
      %dma_wait3A_183 = arith.constant 0 : i32
      %dma_wait3A_184 = tpu.memref_slice %arg10[%dma_wait3A_182, %dma_wait3A_183] : memref<10112x128xf32, #tpu.memory_space<vmem_shared>> -> memref<10112x128xf32, #tpu.memory_space<vmem_shared>>
      tpu.wait_indirect_dma semaphore(%arg15 : memref<!tpu.dma_semaphore, #tpu.memory_space<semaphore_mem>>) src(%dma_wait3A_178 : memref<128x128xf32, #tpu.memory_space<vmem>>) dst(%dma_wait3A_184 : memref<10112x128xf32, #tpu.memory_space<vmem_shared>>)
      %add3A_185 = arith.constant 2 : i32
      %add3A_186 = arith.addi %add3A_132, %add3A_185 : i32
      %dma_start3A_187 = arith.constant 0 : i32
      %dma_start3A_188 = arith.constant 0 : i32
      %dma_start3A_189 = tpu.memref_slice %arg8[%dma_start3A_187, %dma_start3A_188] : memref<2x128xi32, #tpu.memory_space<vmem>> -> memref<1x128xi32, #tpu.memory_space<vmem>>
      %dma_start3A_190 = tpu.memref_squeeze %dma_start3A_189 : memref<1x128xi32, #tpu.memory_space<vmem>> -> memref<128xi32, #tpu.memory_space<vmem>>
      %dma_start3A_191 = arith.constant 0 : i32
      %dma_start3A_192 = tpu.memref_slice %arg4[%arg1, %add3A_186, %dma_start3A_191] : memref<16x82x128xi32, #tpu.memory_space<hbm>> -> memref<1x1x128xi32, #tpu.memory_space<hbm>>
      %dma_start3A_193 = tpu.memref_squeeze %dma_start3A_192 : memref<1x1x128xi32, #tpu.memory_space<hbm>> -> memref<128xi32, #tpu.memory_space<hbm>>
      %dma_start3A_194 = arith.constant 0 : i32
      %dma_start3A_195 = tpu.memref_slice %arg8[%dma_start3A_187, %dma_start3A_194] : memref<2x128xi32, #tpu.memory_space<vmem>> -> memref<1x128xi32, #tpu.memory_space<vmem>>
      %dma_start3A_196 = tpu.memref_squeeze %dma_start3A_195 : memref<1x128xi32, #tpu.memory_space<vmem>> -> memref<128xi32, #tpu.memory_space<vmem>>
      %dma_start3A_197 = arith.constant 0 : i32
      %dma_start3A_198 = tpu.memref_slice %arg4[%arg1, %add3A_186, %dma_start3A_197] : memref<16x82x128xi32, #tpu.memory_space<hbm>> -> memref<1x1x128xi32, #tpu.memory_space<hbm>>
      %dma_start3A_199 = tpu.memref_squeeze %dma_start3A_198 : memref<1x1x128xi32, #tpu.memory_space<hbm>> -> memref<128xi32, #tpu.memory_space<hbm>>
      tpu.enqueue_dma source(%dma_start3A_199 : memref<128xi32, #tpu.memory_space<hbm>>) target(%dma_start3A_196 : memref<128xi32, #tpu.memory_space<vmem>>) target_semaphore(%arg13 : memref<!tpu.dma_semaphore, #tpu.memory_space<semaphore_mem>>)
      %add3A_200 = arith.constant 2 : i32
      %add3A_201 = arith.addi %add3A_132, %add3A_200 : i32
      %dma_start3A_202 = arith.constant 0 : i32
      %dma_start3A_203 = arith.constant 0 : i32
      %dma_start3A_204 = arith.constant 0 : i32
      %dma_start3A_205 = tpu.memref_slice %arg9[%dma_start3A_202, %dma_start3A_203, %dma_start3A_204] : memref<2x128x128xf32, #tpu.memory_space<vmem>> -> memref<1x128x128xf32, #tpu.memory_space<vmem>>
      %dma_start3A_206 = tpu.memref_squeeze %dma_start3A_205 : memref<1x128x128xf32, #tpu.memory_space<vmem>> -> memref<128x128xf32, #tpu.memory_space<vmem>>
      %dma_start3A_207 = arith.constant 0 : i32
      %dma_start3A_208 = tpu.memref_slice %arg7[%add3A_201, %dma_start3A_207] : memref<82x128xi32, #tpu.memory_space<vmem>> -> memref<1x128xi32, #tpu.memory_space<vmem>>
      %dma_start3A_209 = tpu.memref_squeeze %dma_start3A_208 : memref<1x128xi32, #tpu.memory_space<vmem>> -> memref<128xi32, #tpu.memory_space<vmem>>
      %dma_start3A_210 = arith.constant 0 : i32
      %dma_start3A_211 = arith.constant 0 : i32
      %dma_start3A_212 = tpu.memref_slice %arg2[%arg0, %dma_start3A_210, %dma_start3A_211] : memref<2x10000x128xf32, #tpu.memory_space<hbm>> -> memref<1x10000x128xf32, #tpu.memory_space<hbm>>
      %dma_start3A_213 = tpu.memref_squeeze %dma_start3A_212 : memref<1x10000x128xf32, #tpu.memory_space<hbm>> -> memref<10000x128xf32, #tpu.memory_space<hbm>>
      %dma_start3A_214 = arith.constant 0 : i32
      %dma_start3A_215 = arith.constant 0 : i32
      %dma_start3A_216 = tpu.memref_slice %dma_start3A_213[%dma_start3A_214, %dma_start3A_215] : memref<10000x128xf32, #tpu.memory_space<hbm>> -> memref<10000x128xf32, #tpu.memory_space<hbm>>
      tpu.enqueue_indirect_dma source(%dma_start3A_216 : memref<10000x128xf32, #tpu.memory_space<hbm>>) target(%dma_start3A_206 : memref<128x128xf32, #tpu.memory_space<vmem>>) offsets(%dma_start3A_209 : memref<128xi32, #tpu.memory_space<vmem>>) semaphore(%arg11 : memref<!tpu.dma_semaphore, #tpu.memory_space<semaphore_mem>>)
      %add3A_217 = arith.constant 1 : i32
      %add3A_218 = arith.addi %mul3A_131, %add3A_217 : i32
      %dma_wait3A_219 = arith.constant 1 : i32
      %dma_wait3A_220 = arith.constant 0 : i32
      %dma_wait3A_221 = arith.constant 0 : i32
      %dma_wait3A_222 = tpu.memref_slice %arg9[%dma_wait3A_219, %dma_wait3A_220, %dma_wait3A_221] : memref<2x128x128xf32, #tpu.memory_space<vmem>> -> memref<1x128x128xf32, #tpu.memory_space<vmem>>
      %dma_wait3A_223 = tpu.memref_squeeze %dma_wait3A_222 : memref<1x128x128xf32, #tpu.memory_space<vmem>> -> memref<128x128xf32, #tpu.memory_space<vmem>>
      %dma_wait3A_224 = arith.constant 0 : i32
      %dma_wait3A_225 = tpu.memref_slice %arg7[%add3A_218, %dma_wait3A_224] : memref<82x128xi32, #tpu.memory_space<vmem>> -> memref<1x128xi32, #tpu.memory_space<vmem>>
      %dma_wait3A_226 = tpu.memref_squeeze %dma_wait3A_225 : memref<1x128xi32, #tpu.memory_space<vmem>> -> memref<128xi32, #tpu.memory_space<vmem>>
      %dma_wait3A_227 = arith.constant 0 : i32
      %dma_wait3A_228 = arith.constant 0 : i32
      %dma_wait3A_229 = tpu.memref_slice %arg2[%arg0, %dma_wait3A_227, %dma_wait3A_228] : memref<2x10000x128xf32, #tpu.memory_space<hbm>> -> memref<1x10000x128xf32, #tpu.memory_space<hbm>>
      %dma_wait3A_230 = tpu.memref_squeeze %dma_wait3A_229 : memref<1x10000x128xf32, #tpu.memory_space<hbm>> -> memref<10000x128xf32, #tpu.memory_space<hbm>>
      %dma_wait3A_231 = arith.constant 0 : i32
      %dma_wait3A_232 = arith.constant 0 : i32
      %dma_wait3A_233 = tpu.memref_slice %dma_wait3A_230[%dma_wait3A_231, %dma_wait3A_232] : memref<10000x128xf32, #tpu.memory_space<hbm>> -> memref<10000x128xf32, #tpu.memory_space<hbm>>
      tpu.wait_indirect_dma semaphore(%arg12 : memref<!tpu.dma_semaphore, #tpu.memory_space<semaphore_mem>>) src(%dma_wait3A_233 : memref<10000x128xf32, #tpu.memory_space<hbm>>) dst(%dma_wait3A_223 : memref<128x128xf32, #tpu.memory_space<vmem>>)
      %dma_wait3A_234 = arith.constant 1 : i32
      %dma_wait3A_235 = arith.constant 0 : i32
      %dma_wait3A_236 = tpu.memref_slice %arg8[%dma_wait3A_234, %dma_wait3A_235] : memref<2x128xi32, #tpu.memory_space<vmem>> -> memref<1x128xi32, #tpu.memory_space<vmem>>
      %dma_wait3A_237 = tpu.memref_squeeze %dma_wait3A_236 : memref<1x128xi32, #tpu.memory_space<vmem>> -> memref<128xi32, #tpu.memory_space<vmem>>
      %dma_wait3A_238 = arith.constant 0 : i32
      %dma_wait3A_239 = tpu.memref_slice %arg4[%arg1, %add3A_218, %dma_wait3A_238] : memref<16x82x128xi32, #tpu.memory_space<hbm>> -> memref<1x1x128xi32, #tpu.memory_space<hbm>>
      %dma_wait3A_240 = tpu.memref_squeeze %dma_wait3A_239 : memref<1x1x128xi32, #tpu.memory_space<hbm>> -> memref<128xi32, #tpu.memory_space<hbm>>
      %dma_wait3A_241 = arith.constant 0 : i32
      %dma_wait3A_242 = tpu.memref_slice %arg8[%dma_wait3A_234, %dma_wait3A_241] : memref<2x128xi32, #tpu.memory_space<vmem>> -> memref<1x128xi32, #tpu.memory_space<vmem>>
      %dma_wait3A_243 = tpu.memref_squeeze %dma_wait3A_242 : memref<1x128xi32, #tpu.memory_space<vmem>> -> memref<128xi32, #tpu.memory_space<vmem>>
      %dma_wait3A_244 = arith.constant 0 : i32
      %dma_wait3A_245 = tpu.memref_slice %arg4[%arg1, %add3A_218, %dma_wait3A_244] : memref<16x82x128xi32, #tpu.memory_space<hbm>> -> memref<1x1x128xi32, #tpu.memory_space<hbm>>
      %dma_wait3A_246 = tpu.memref_squeeze %dma_wait3A_245 : memref<1x1x128xi32, #tpu.memory_space<hbm>> -> memref<128xi32, #tpu.memory_space<hbm>>
      tpu.wait_dma2 semaphore(%arg14 : memref<!tpu.dma_semaphore, #tpu.memory_space<semaphore_mem>>) src(%dma_wait3A_246 : memref<128xi32, #tpu.memory_space<hbm>>) dst(%dma_wait3A_243 : memref<128xi32, #tpu.memory_space<vmem>>)
      %dma_start3A_247 = arith.constant 1 : i32
      %dma_start3A_248 = arith.constant 1 : i32
      %dma_start3A_249 = arith.constant 0 : i32
      %dma_start3A_250 = arith.constant 0 : i32
      %dma_start3A_251 = tpu.memref_slice %arg9[%dma_start3A_247, %dma_start3A_249, %dma_start3A_250] : memref<2x128x128xf32, #tpu.memory_space<vmem>> -> memref<1x128x128xf32, #tpu.memory_space<vmem>>
      %dma_start3A_252 = tpu.memref_squeeze %dma_start3A_251 : memref<1x128x128xf32, #tpu.memory_space<vmem>> -> memref<128x128xf32, #tpu.memory_space<vmem>>
      %dma_start3A_253 = arith.constant 0 : i32
      %dma_start3A_254 = tpu.memref_slice %arg8[%dma_start3A_248, %dma_start3A_253] : memref<2x128xi32, #tpu.memory_space<vmem>> -> memref<1x128xi32, #tpu.memory_space<vmem>>
      %dma_start3A_255 = tpu.memref_squeeze %dma_start3A_254 : memref<1x128xi32, #tpu.memory_space<vmem>> -> memref<128xi32, #tpu.memory_space<vmem>>
      %dma_start3A_256 = arith.constant 0 : i32
      %dma_start3A_257 = arith.constant 0 : i32
      %dma_start3A_258 = tpu.memref_slice %arg10[%dma_start3A_256, %dma_start3A_257] : memref<10112x128xf32, #tpu.memory_space<vmem_shared>> -> memref<10112x128xf32, #tpu.memory_space<vmem_shared>>
      tpu.enqueue_indirect_dma source(%dma_start3A_252 : memref<128x128xf32, #tpu.memory_space<vmem>>) target(%dma_start3A_258 : memref<10112x128xf32, #tpu.memory_space<vmem_shared>>) offsets(%dma_start3A_255 : memref<128xi32, #tpu.memory_space<vmem>>) semaphore(%arg15 : memref<!tpu.dma_semaphore, #tpu.memory_space<semaphore_mem>>) {add = true}
      %dma_wait3A_259 = arith.constant 1 : i32
      %dma_wait3A_260 = arith.constant 1 : i32
      %dma_wait3A_261 = arith.constant 0 : i32
      %dma_wait3A_262 = arith.constant 0 : i32
      %dma_wait3A_263 = tpu.memref_slice %arg9[%dma_wait3A_259, %dma_wait3A_261, %dma_wait3A_262] : memref<2x128x128xf32, #tpu.memory_space<vmem>> -> memref<1x128x128xf32, #tpu.memory_space<vmem>>
      %dma_wait3A_264 = tpu.memref_squeeze %dma_wait3A_263 : memref<1x128x128xf32, #tpu.memory_space<vmem>> -> memref<128x128xf32, #tpu.memory_space<vmem>>
      %dma_wait3A_265 = arith.constant 0 : i32
      %dma_wait3A_266 = tpu.memref_slice %arg8[%dma_wait3A_260, %dma_wait3A_265] : memref<2x128xi32, #tpu.memory_space<vmem>> -> memref<1x128xi32, #tpu.memory_space<vmem>>
      %dma_wait3A_267 = tpu.memref_squeeze %dma_wait3A_266 : memref<1x128xi32, #tpu.memory_space<vmem>> -> memref<128xi32, #tpu.memory_space<vmem>>
      %dma_wait3A_268 = arith.constant 0 : i32
      %dma_wait3A_269 = arith.constant 0 : i32
      %dma_wait3A_270 = tpu.memref_slice %arg10[%dma_wait3A_268, %dma_wait3A_269] : memref<10112x128xf32, #tpu.memory_space<vmem_shared>> -> memref<10112x128xf32, #tpu.memory_space<vmem_shared>>
      tpu.wait_indirect_dma semaphore(%arg15 : memref<!tpu.dma_semaphore, #tpu.memory_space<semaphore_mem>>) src(%dma_wait3A_264 : memref<128x128xf32, #tpu.memory_space<vmem>>) dst(%dma_wait3A_270 : memref<10112x128xf32, #tpu.memory_space<vmem_shared>>)
      %add3A_271 = arith.constant 2 : i32
      %add3A_272 = arith.addi %add3A_218, %add3A_271 : i32
      %dma_start3A_273 = arith.constant 1 : i32
      %dma_start3A_274 = arith.constant 0 : i32
      %dma_start3A_275 = tpu.memref_slice %arg8[%dma_start3A_273, %dma_start3A_274] : memref<2x128xi32, #tpu.memory_space<vmem>> -> memref<1x128xi32, #tpu.memory_space<vmem>>
      %dma_start3A_276 = tpu.memref_squeeze %dma_start3A_275 : memref<1x128xi32, #tpu.memory_space<vmem>> -> memref<128xi32, #tpu.memory_space<vmem>>
      %dma_start3A_277 = arith.constant 0 : i32
      %dma_start3A_278 = tpu.memref_slice %arg4[%arg1, %add3A_272, %dma_start3A_277] : memref<16x82x128xi32, #tpu.memory_space<hbm>> -> memref<1x1x128xi32, #tpu.memory_space<hbm>>
      %dma_start3A_279 = tpu.memref_squeeze %dma_start3A_278 : memref<1x1x128xi32, #tpu.memory_space<hbm>> -> memref<128xi32, #tpu.memory_space<hbm>>
      %dma_start3A_280 = arith.constant 0 : i32
      %dma_start3A_281 = tpu.memref_slice %arg8[%dma_start3A_273, %dma_start3A_280] : memref<2x128xi32, #tpu.memory_space<vmem>> -> memref<1x128xi32, #tpu.memory_space<vmem>>
      %dma_start3A_282 = tpu.memref_squeeze %dma_start3A_281 : memref<1x128xi32, #tpu.memory_space<vmem>> -> memref<128xi32, #tpu.memory_space<vmem>>
      %dma_start3A_283 = arith.constant 0 : i32
      %dma_start3A_284 = tpu.memref_slice %arg4[%arg1, %add3A_272, %dma_start3A_283] : memref<16x82x128xi32, #tpu.memory_space<hbm>> -> memref<1x1x128xi32, #tpu.memory_space<hbm>>
      %dma_start3A_285 = tpu.memref_squeeze %dma_start3A_284 : memref<1x1x128xi32, #tpu.memory_space<hbm>> -> memref<128xi32, #tpu.memory_space<hbm>>
      tpu.enqueue_dma source(%dma_start3A_285 : memref<128xi32, #tpu.memory_space<hbm>>) target(%dma_start3A_282 : memref<128xi32, #tpu.memory_space<vmem>>) target_semaphore(%arg14 : memref<!tpu.dma_semaphore, #tpu.memory_space<semaphore_mem>>)
      %add3A_286 = arith.constant 2 : i32
      %add3A_287 = arith.addi %add3A_218, %add3A_286 : i32
      %dma_start3A_288 = arith.constant 1 : i32
      %dma_start3A_289 = arith.constant 0 : i32
      %dma_start3A_290 = arith.constant 0 : i32
      %dma_start3A_291 = tpu.memref_slice %arg9[%dma_start3A_288, %dma_start3A_289, %dma_start3A_290] : memref<2x128x128xf32, #tpu.memory_space<vmem>> -> memref<1x128x128xf32, #tpu.memory_space<vmem>>
      %dma_start3A_292 = tpu.memref_squeeze %dma_start3A_291 : memref<1x128x128xf32, #tpu.memory_space<vmem>> -> memref<128x128xf32, #tpu.memory_space<vmem>>
      %dma_start3A_293 = arith.constant 0 : i32
      %dma_start3A_294 = tpu.memref_slice %arg7[%add3A_287, %dma_start3A_293] : memref<82x128xi32, #tpu.memory_space<vmem>> -> memref<1x128xi32, #tpu.memory_space<vmem>>
      %dma_start3A_295 = tpu.memref_squeeze %dma_start3A_294 : memref<1x128xi32, #tpu.memory_space<vmem>> -> memref<128xi32, #tpu.memory_space<vmem>>
      %dma_start3A_296 = arith.constant 0 : i32
      %dma_start3A_297 = arith.constant 0 : i32
      %dma_start3A_298 = tpu.memref_slice %arg2[%arg0, %dma_start3A_296, %dma_start3A_297] : memref<2x10000x128xf32, #tpu.memory_space<hbm>> -> memref<1x10000x128xf32, #tpu.memory_space<hbm>>
      %dma_start3A_299 = tpu.memref_squeeze %dma_start3A_298 : memref<1x10000x128xf32, #tpu.memory_space<hbm>> -> memref<10000x128xf32, #tpu.memory_space<hbm>>
      %dma_start3A_300 = arith.constant 0 : i32
      %dma_start3A_301 = arith.constant 0 : i32
      %dma_start3A_302 = tpu.memref_slice %dma_start3A_299[%dma_start3A_300, %dma_start3A_301] : memref<10000x128xf32, #tpu.memory_space<hbm>> -> memref<10000x128xf32, #tpu.memory_space<hbm>>
      tpu.enqueue_indirect_dma source(%dma_start3A_302 : memref<10000x128xf32, #tpu.memory_space<hbm>>) target(%dma_start3A_292 : memref<128x128xf32, #tpu.memory_space<vmem>>) offsets(%dma_start3A_295 : memref<128xi32, #tpu.memory_space<vmem>>) semaphore(%arg12 : memref<!tpu.dma_semaphore, #tpu.memory_space<semaphore_mem>>)
    }
    %scan3A_64 = arith.constant 40 : i32
    %dma_wait3A = arith.constant 80 : i32
    %dma_wait3A_65 = arith.constant 0 : i32
    %dma_wait3A_66 = arith.constant 0 : i32
    %dma_wait3A_67 = arith.constant 0 : i32
    %dma_wait3A_68 = tpu.memref_slice %arg9[%dma_wait3A_65, %dma_wait3A_66, %dma_wait3A_67] : memref<2x128x128xf32, #tpu.memory_space<vmem>> -> memref<1x128x128xf32, #tpu.memory_space<vmem>>
    %dma_wait3A_69 = tpu.memref_squeeze %dma_wait3A_68 : memref<1x128x128xf32, #tpu.memory_space<vmem>> -> memref<128x128xf32, #tpu.memory_space<vmem>>
    %dma_wait3A_70 = arith.constant 0 : i32
    %dma_wait3A_71 = tpu.memref_slice %arg7[%dma_wait3A, %dma_wait3A_70] : memref<82x128xi32, #tpu.memory_space<vmem>> -> memref<1x128xi32, #tpu.memory_space<vmem>>
    %dma_wait3A_72 = tpu.memref_squeeze %dma_wait3A_71 : memref<1x128xi32, #tpu.memory_space<vmem>> -> memref<128xi32, #tpu.memory_space<vmem>>
    %dma_wait3A_73 = arith.constant 0 : i32
    %dma_wait3A_74 = arith.constant 0 : i32
    %dma_wait3A_75 = tpu.memref_slice %arg2[%arg0, %dma_wait3A_73, %dma_wait3A_74] : memref<2x10000x128xf32, #tpu.memory_space<hbm>> -> memref<1x10000x128xf32, #tpu.memory_space<hbm>>
    %dma_wait3A_76 = tpu.memref_squeeze %dma_wait3A_75 : memref<1x10000x128xf32, #tpu.memory_space<hbm>> -> memref<10000x128xf32, #tpu.memory_space<hbm>>
    %dma_wait3A_77 = arith.constant 0 : i32
    %dma_wait3A_78 = arith.constant 0 : i32
    %dma_wait3A_79 = tpu.memref_slice %dma_wait3A_76[%dma_wait3A_77, %dma_wait3A_78] : memref<10000x128xf32, #tpu.memory_space<hbm>> -> memref<10000x128xf32, #tpu.memory_space<hbm>>
    tpu.wait_indirect_dma semaphore(%arg11 : memref<!tpu.dma_semaphore, #tpu.memory_space<semaphore_mem>>) src(%dma_wait3A_79 : memref<10000x128xf32, #tpu.memory_space<hbm>>) dst(%dma_wait3A_69 : memref<128x128xf32, #tpu.memory_space<vmem>>)
    %dma_wait3A_80 = arith.constant 80 : i32
    %dma_wait3A_81 = arith.constant 0 : i32
    %dma_wait3A_82 = arith.constant 0 : i32
    %dma_wait3A_83 = tpu.memref_slice %arg8[%dma_wait3A_81, %dma_wait3A_82] : memref<2x128xi32, #tpu.memory_space<vmem>> -> memref<1x128xi32, #tpu.memory_space<vmem>>
    %dma_wait3A_84 = tpu.memref_squeeze %dma_wait3A_83 : memref<1x128xi32, #tpu.memory_space<vmem>> -> memref<128xi32, #tpu.memory_space<vmem>>
    %dma_wait3A_85 = arith.constant 0 : i32
    %dma_wait3A_86 = tpu.memref_slice %arg4[%arg1, %dma_wait3A_80, %dma_wait3A_85] : memref<16x82x128xi32, #tpu.memory_space<hbm>> -> memref<1x1x128xi32, #tpu.memory_space<hbm>>
    %dma_wait3A_87 = tpu.memref_squeeze %dma_wait3A_86 : memref<1x1x128xi32, #tpu.memory_space<hbm>> -> memref<128xi32, #tpu.memory_space<hbm>>
    %dma_wait3A_88 = arith.constant 0 : i32
    %dma_wait3A_89 = tpu.memref_slice %arg8[%dma_wait3A_81, %dma_wait3A_88] : memref<2x128xi32, #tpu.memory_space<vmem>> -> memref<1x128xi32, #tpu.memory_space<vmem>>
    %dma_wait3A_90 = tpu.memref_squeeze %dma_wait3A_89 : memref<1x128xi32, #tpu.memory_space<vmem>> -> memref<128xi32, #tpu.memory_space<vmem>>
    %dma_wait3A_91 = arith.constant 0 : i32
    %dma_wait3A_92 = tpu.memref_slice %arg4[%arg1, %dma_wait3A_80, %dma_wait3A_91] : memref<16x82x128xi32, #tpu.memory_space<hbm>> -> memref<1x1x128xi32, #tpu.memory_space<hbm>>
    %dma_wait3A_93 = tpu.memref_squeeze %dma_wait3A_92 : memref<1x1x128xi32, #tpu.memory_space<hbm>> -> memref<128xi32, #tpu.memory_space<hbm>>
    tpu.wait_dma2 semaphore(%arg13 : memref<!tpu.dma_semaphore, #tpu.memory_space<semaphore_mem>>) src(%dma_wait3A_93 : memref<128xi32, #tpu.memory_space<hbm>>) dst(%dma_wait3A_90 : memref<128xi32, #tpu.memory_space<vmem>>)
    %dma_wait3A_94 = arith.constant 81 : i32
    %dma_wait3A_95 = arith.constant 1 : i32
    %dma_wait3A_96 = arith.constant 0 : i32
    %dma_wait3A_97 = arith.constant 0 : i32
    %dma_wait3A_98 = tpu.memref_slice %arg9[%dma_wait3A_95, %dma_wait3A_96, %dma_wait3A_97] : memref<2x128x128xf32, #tpu.memory_space<vmem>> -> memref<1x128x128xf32, #tpu.memory_space<vmem>>
    %dma_wait3A_99 = tpu.memref_squeeze %dma_wait3A_98 : memref<1x128x128xf32, #tpu.memory_space<vmem>> -> memref<128x128xf32, #tpu.memory_space<vmem>>
    %dma_wait3A_100 = arith.constant 0 : i32
    %dma_wait3A_101 = tpu.memref_slice %arg7[%dma_wait3A_94, %dma_wait3A_100] : memref<82x128xi32, #tpu.memory_space<vmem>> -> memref<1x128xi32, #tpu.memory_space<vmem>>
    %dma_wait3A_102 = tpu.memref_squeeze %dma_wait3A_101 : memref<1x128xi32, #tpu.memory_space<vmem>> -> memref<128xi32, #tpu.memory_space<vmem>>
    %dma_wait3A_103 = arith.constant 0 : i32
    %dma_wait3A_104 = arith.constant 0 : i32
    %dma_wait3A_105 = tpu.memref_slice %arg2[%arg0, %dma_wait3A_103, %dma_wait3A_104] : memref<2x10000x128xf32, #tpu.memory_space<hbm>> -> memref<1x10000x128xf32, #tpu.memory_space<hbm>>
    %dma_wait3A_106 = tpu.memref_squeeze %dma_wait3A_105 : memref<1x10000x128xf32, #tpu.memory_space<hbm>> -> memref<10000x128xf32, #tpu.memory_space<hbm>>
    %dma_wait3A_107 = arith.constant 0 : i32
    %dma_wait3A_108 = arith.constant 0 : i32
    %dma_wait3A_109 = tpu.memref_slice %dma_wait3A_106[%dma_wait3A_107, %dma_wait3A_108] : memref<10000x128xf32, #tpu.memory_space<hbm>> -> memref<10000x128xf32, #tpu.memory_space<hbm>>
    tpu.wait_indirect_dma semaphore(%arg12 : memref<!tpu.dma_semaphore, #tpu.memory_space<semaphore_mem>>) src(%dma_wait3A_109 : memref<10000x128xf32, #tpu.memory_space<hbm>>) dst(%dma_wait3A_99 : memref<128x128xf32, #tpu.memory_space<vmem>>)
    %dma_wait3A_110 = arith.constant 81 : i32
    %dma_wait3A_111 = arith.constant 1 : i32
    %dma_wait3A_112 = arith.constant 0 : i32
    %dma_wait3A_113 = tpu.memref_slice %arg8[%dma_wait3A_111, %dma_wait3A_112] : memref<2x128xi32, #tpu.memory_space<vmem>> -> memref<1x128xi32, #tpu.memory_space<vmem>>
    %dma_wait3A_114 = tpu.memref_squeeze %dma_wait3A_113 : memref<1x128xi32, #tpu.memory_space<vmem>> -> memref<128xi32, #tpu.memory_space<vmem>>
    %dma_wait3A_115 = arith.constant 0 : i32
    %dma_wait3A_116 = tpu.memref_slice %arg4[%arg1, %dma_wait3A_110, %dma_wait3A_115] : memref<16x82x128xi32, #tpu.memory_space<hbm>> -> memref<1x1x128xi32, #tpu.memory_space<hbm>>
    %dma_wait3A_117 = tpu.memref_squeeze %dma_wait3A_116 : memref<1x1x128xi32, #tpu.memory_space<hbm>> -> memref<128xi32, #tpu.memory_space<hbm>>
    %dma_wait3A_118 = arith.constant 0 : i32
    %dma_wait3A_119 = tpu.memref_slice %arg8[%dma_wait3A_111, %dma_wait3A_118] : memref<2x128xi32, #tpu.memory_space<vmem>> -> memref<1x128xi32, #tpu.memory_space<vmem>>
    %dma_wait3A_120 = tpu.memref_squeeze %dma_wait3A_119 : memref<1x128xi32, #tpu.memory_space<vmem>> -> memref<128xi32, #tpu.memory_space<vmem>>
    %dma_wait3A_121 = arith.constant 0 : i32
    %dma_wait3A_122 = tpu.memref_slice %arg4[%arg1, %dma_wait3A_110, %dma_wait3A_121] : memref<16x82x128xi32, #tpu.memory_space<hbm>> -> memref<1x1x128xi32, #tpu.memory_space<hbm>>
    %dma_wait3A_123 = tpu.memref_squeeze %dma_wait3A_122 : memref<1x1x128xi32, #tpu.memory_space<hbm>> -> memref<128xi32, #tpu.memory_space<hbm>>
    tpu.wait_dma2 semaphore(%arg14 : memref<!tpu.dma_semaphore, #tpu.memory_space<semaphore_mem>>) src(%dma_wait3A_123 : memref<128xi32, #tpu.memory_space<hbm>>) dst(%dma_wait3A_120 : memref<128xi32, #tpu.memory_space<vmem>>)
    %barrier3A_124 = arith.constant 0 : index
    tpu.barrier barrier_id(%barrier3A_124)
    %mul3A_125 = arith.constant 632 : i32
    %mul3A_126 = arith.muli %arg1, %mul3A_125 : i32
    %mul3A_127 = arith.constant 632 : i32
    %mul3A_128 = arith.muli %arg1, %mul3A_127 : i32
    "tpu.region"() ({
      %run_scoped3A = tpu.sem_alloc : memref<!tpu.dma_semaphore, #tpu.memory_space<semaphore_mem>>
      %dma_start3A_129 = arith.constant 0 : i32
      %dma_start3A_130 = tpu.memref_slice %arg6[%arg0, %mul3A_128, %dma_start3A_129] : memref<2x10112x128xf32, #tpu.memory_space<hbm>> -> memref<1x632x128xf32, #tpu.memory_space<hbm>>
      %dma_start3A_131 = tpu.memref_squeeze %dma_start3A_130 : memref<1x632x128xf32, #tpu.memory_space<hbm>> -> memref<632x128xf32, #tpu.memory_space<hbm>>
      %dma_start3A_132 = arith.constant 0 : i32
      %dma_start3A_133 = tpu.memref_slice %arg10[%mul3A_126, %dma_start3A_132] : memref<10112x128xf32, #tpu.memory_space<vmem_shared>> -> memref<632x128xf32, #tpu.memory_space<vmem_shared>>
      tpu.enqueue_dma source(%dma_start3A_133 : memref<632x128xf32, #tpu.memory_space<vmem_shared>>) target(%dma_start3A_131 : memref<632x128xf32, #tpu.memory_space<hbm>>) target_semaphore(%run_scoped3A : memref<!tpu.dma_semaphore, #tpu.memory_space<semaphore_mem>>)
      %dma_wait3A_134 = arith.constant 0 : i32
      %dma_wait3A_135 = tpu.memref_slice %arg6[%arg0, %mul3A_128, %dma_wait3A_134] : memref<2x10112x128xf32, #tpu.memory_space<hbm>> -> memref<1x632x128xf32, #tpu.memory_space<hbm>>
      %dma_wait3A_136 = tpu.memref_squeeze %dma_wait3A_135 : memref<1x632x128xf32, #tpu.memory_space<hbm>> -> memref<632x128xf32, #tpu.memory_space<hbm>>
      %dma_wait3A_137 = arith.constant 0 : i32
      %dma_wait3A_138 = tpu.memref_slice %arg10[%mul3A_126, %dma_wait3A_137] : memref<10112x128xf32, #tpu.memory_space<vmem_shared>> -> memref<632x128xf32, #tpu.memory_space<vmem_shared>>
      tpu.wait_dma2 semaphore(%run_scoped3A : memref<!tpu.dma_semaphore, #tpu.memory_space<semaphore_mem>>) src(%dma_wait3A_138 : memref<632x128xf32, #tpu.memory_space<vmem_shared>>) dst(%dma_wait3A_136 : memref<632x128xf32, #tpu.memory_space<hbm>>)
      tpu.yield
    }) : () -> ()
    return
  }
}

#map = affine_map<(d0, d1) -> (0, 0, 0)>
#map1 = affine_map<(d0, d1) -> (0, 0)>
module attributes {stable_mosaic.version = 14 : i64} {
  func.func @_agg_kernel(%arg0: i32, %arg1: i32, %arg2: memref<2x10000x128xf32, #tpu.memory_space<hbm>>, %arg3: memref<16x82x128xi32, #tpu.memory_space<hbm>>, %arg4: memref<16x82x128xi32, #tpu.memory_space<hbm>>, %arg5: memref<632x128xf32, #tpu.memory_space<hbm>>, %arg6: memref<2x10112x128xf32, #tpu.memory_space<hbm>>, %arg7: memref<82x128xi32, #tpu.memory_space<vmem>>, %arg8: memref<2x128xi32, #tpu.memory_space<vmem>>, %arg9: memref<2x128x128xf32, #tpu.memory_space<vmem>>, %arg10: memref<10112x128xf32, #tpu.memory_space<vmem_shared>>, %arg11: memref<!tpu.dma_semaphore, #tpu.memory_space<semaphore_mem>>, %arg12: memref<!tpu.dma_semaphore, #tpu.memory_space<semaphore_mem>>, %arg13: memref<!tpu.dma_semaphore, #tpu.memory_space<semaphore_mem>>, %arg14: memref<!tpu.dma_semaphore, #tpu.memory_space<semaphore_mem>>, %arg15: memref<!tpu.dma_semaphore, #tpu.memory_space<semaphore_mem>>) attributes {dimension_semantics = [#tpu.dimension_semantics<core_parallel>, #tpu.dimension_semantics<subcore_parallel>], iteration_bounds = array<i64: 2, 16>, scalar_prefetch = 0 : i64, scratch_operands = 9 : i64, tpu.core_type = #tpu.core_type<sc_vector_subcore>, window_params = [{transform_indices = #map}, {transform_indices = #map}, {transform_indices = #map}, {transform_indices = #map1}, {transform_indices = #map}]} {
    %mul3A = arith.constant 632 : i32
    %mul3A_0 = arith.muli %arg1, %mul3A : i32
    "tpu.region"() ({
      %run_scoped3A = tpu.sem_alloc : memref<!tpu.dma_semaphore, #tpu.memory_space<semaphore_mem>>
      %dma_start3A_129 = arith.constant 0 : i32
      %dma_start3A_130 = tpu.memref_slice %arg10[%mul3A_0, %dma_start3A_129] : memref<10112x128xf32, #tpu.memory_space<vmem_shared>> -> memref<632x128xf32, #tpu.memory_space<vmem_shared>>
      tpu.enqueue_dma source(%arg5 : memref<632x128xf32, #tpu.memory_space<hbm>>) target(%dma_start3A_130 : memref<632x128xf32, #tpu.memory_space<vmem_shared>>) target_semaphore(%run_scoped3A : memref<!tpu.dma_semaphore, #tpu.memory_space<semaphore_mem>>)
      %dma_wait3A_131 = arith.constant 0 : i32
      %dma_wait3A_132 = tpu.memref_slice %arg10[%mul3A_0, %dma_wait3A_131] : memref<10112x128xf32, #tpu.memory_space<vmem_shared>> -> memref<632x128xf32, #tpu.memory_space<vmem_shared>>
      tpu.wait_dma2 semaphore(%run_scoped3A : memref<!tpu.dma_semaphore, #tpu.memory_space<semaphore_mem>>) src(%arg5 : memref<632x128xf32, #tpu.memory_space<hbm>>) dst(%dma_wait3A_132 : memref<632x128xf32, #tpu.memory_space<vmem_shared>>)
      tpu.yield
    }) : () -> ()
    "tpu.region"() ({
      %run_scoped3A = tpu.sem_alloc : memref<!tpu.dma_semaphore, #tpu.memory_space<semaphore_mem>>
      %dma_start3A_129 = arith.constant 0 : i32
      %dma_start3A_130 = arith.constant 0 : i32
      %dma_start3A_131 = tpu.memref_slice %arg3[%arg1, %dma_start3A_129, %dma_start3A_130] : memref<16x82x128xi32, #tpu.memory_space<hbm>> -> memref<1x82x128xi32, #tpu.memory_space<hbm>>
      %dma_start3A_132 = tpu.memref_squeeze %dma_start3A_131 : memref<1x82x128xi32, #tpu.memory_space<hbm>> -> memref<82x128xi32, #tpu.memory_space<hbm>>
      %dma_start3A_133 = arith.constant 0 : i32
      %dma_start3A_134 = arith.constant 0 : i32
      %dma_start3A_135 = tpu.memref_slice %arg3[%arg1, %dma_start3A_133, %dma_start3A_134] : memref<16x82x128xi32, #tpu.memory_space<hbm>> -> memref<1x82x128xi32, #tpu.memory_space<hbm>>
      %dma_start3A_136 = tpu.memref_squeeze %dma_start3A_135 : memref<1x82x128xi32, #tpu.memory_space<hbm>> -> memref<82x128xi32, #tpu.memory_space<hbm>>
      tpu.enqueue_dma source(%dma_start3A_136 : memref<82x128xi32, #tpu.memory_space<hbm>>) target(%arg7 : memref<82x128xi32, #tpu.memory_space<vmem>>) target_semaphore(%run_scoped3A : memref<!tpu.dma_semaphore, #tpu.memory_space<semaphore_mem>>)
      %dma_wait3A_137 = arith.constant 0 : i32
      %dma_wait3A_138 = arith.constant 0 : i32
      %dma_wait3A_139 = tpu.memref_slice %arg3[%arg1, %dma_wait3A_137, %dma_wait3A_138] : memref<16x82x128xi32, #tpu.memory_space<hbm>> -> memref<1x82x128xi32, #tpu.memory_space<hbm>>
      %dma_wait3A_140 = tpu.memref_squeeze %dma_wait3A_139 : memref<1x82x128xi32, #tpu.memory_space<hbm>> -> memref<82x128xi32, #tpu.memory_space<hbm>>
      %dma_wait3A_141 = arith.constant 0 : i32
      %dma_wait3A_142 = arith.constant 0 : i32
      %dma_wait3A_143 = tpu.memref_slice %arg3[%arg1, %dma_wait3A_141, %dma_wait3A_142] : memref<16x82x128xi32, #tpu.memory_space<hbm>> -> memref<1x82x128xi32, #tpu.memory_space<hbm>>
      %dma_wait3A_144 = tpu.memref_squeeze %dma_wait3A_143 : memref<1x82x128xi32, #tpu.memory_space<hbm>> -> memref<82x128xi32, #tpu.memory_space<hbm>>
      tpu.wait_dma2 semaphore(%run_scoped3A : memref<!tpu.dma_semaphore, #tpu.memory_space<semaphore_mem>>) src(%dma_wait3A_144 : memref<82x128xi32, #tpu.memory_space<hbm>>) dst(%arg7 : memref<82x128xi32, #tpu.memory_space<vmem>>)
      tpu.yield
    }) : () -> ()
    %barrier3A = arith.constant 0 : index
    tpu.barrier barrier_id(%barrier3A)
    %dma_start3A = arith.constant 0 : i32
    %dma_start3A_1 = arith.constant 0 : i32
    %dma_start3A_2 = arith.constant 0 : i32
    %dma_start3A_3 = tpu.memref_slice %arg8[%dma_start3A_1, %dma_start3A_2] : memref<2x128xi32, #tpu.memory_space<vmem>> -> memref<1x128xi32, #tpu.memory_space<vmem>>
    %dma_start3A_4 = tpu.memref_squeeze %dma_start3A_3 : memref<1x128xi32, #tpu.memory_space<vmem>> -> memref<128xi32, #tpu.memory_space<vmem>>
    %dma_start3A_5 = arith.constant 0 : i32
    %dma_start3A_6 = tpu.memref_slice %arg4[%arg1, %dma_start3A, %dma_start3A_5] : memref<16x82x128xi32, #tpu.memory_space<hbm>> -> memref<1x1x128xi32, #tpu.memory_space<hbm>>
    %dma_start3A_7 = tpu.memref_squeeze %dma_start3A_6 : memref<1x1x128xi32, #tpu.memory_space<hbm>> -> memref<128xi32, #tpu.memory_space<hbm>>
    %dma_start3A_8 = arith.constant 0 : i32
    %dma_start3A_9 = tpu.memref_slice %arg8[%dma_start3A_1, %dma_start3A_8] : memref<2x128xi32, #tpu.memory_space<vmem>> -> memref<1x128xi32, #tpu.memory_space<vmem>>
    %dma_start3A_10 = tpu.memref_squeeze %dma_start3A_9 : memref<1x128xi32, #tpu.memory_space<vmem>> -> memref<128xi32, #tpu.memory_space<vmem>>
    %dma_start3A_11 = arith.constant 0 : i32
    %dma_start3A_12 = tpu.memref_slice %arg4[%arg1, %dma_start3A, %dma_start3A_11] : memref<16x82x128xi32, #tpu.memory_space<hbm>> -> memref<1x1x128xi32, #tpu.memory_space<hbm>>
    %dma_start3A_13 = tpu.memref_squeeze %dma_start3A_12 : memref<1x1x128xi32, #tpu.memory_space<hbm>> -> memref<128xi32, #tpu.memory_space<hbm>>
    tpu.enqueue_dma source(%dma_start3A_13 : memref<128xi32, #tpu.memory_space<hbm>>) target(%dma_start3A_10 : memref<128xi32, #tpu.memory_space<vmem>>) target_semaphore(%arg13 : memref<!tpu.dma_semaphore, #tpu.memory_space<semaphore_mem>>)
    %dma_start3A_14 = arith.constant 0 : i32
    %dma_start3A_15 = arith.constant 0 : i32
    %dma_start3A_16 = arith.constant 0 : i32
    %dma_start3A_17 = arith.constant 0 : i32
    %dma_start3A_18 = tpu.memref_slice %arg9[%dma_start3A_15, %dma_start3A_16, %dma_start3A_17] : memref<2x128x128xf32, #tpu.memory_space<vmem>> -> memref<1x128x128xf32, #tpu.memory_space<vmem>>
    %dma_start3A_19 = tpu.memref_squeeze %dma_start3A_18 : memref<1x128x128xf32, #tpu.memory_space<vmem>> -> memref<128x128xf32, #tpu.memory_space<vmem>>
    %dma_start3A_20 = arith.constant 0 : i32
    %dma_start3A_21 = tpu.memref_slice %arg7[%dma_start3A_14, %dma_start3A_20] : memref<82x128xi32, #tpu.memory_space<vmem>> -> memref<1x128xi32, #tpu.memory_space<vmem>>
    %dma_start3A_22 = tpu.memref_squeeze %dma_start3A_21 : memref<1x128xi32, #tpu.memory_space<vmem>> -> memref<128xi32, #tpu.memory_space<vmem>>
    %dma_start3A_23 = arith.constant 0 : i32
    %dma_start3A_24 = arith.constant 0 : i32
    %dma_start3A_25 = tpu.memref_slice %arg2[%arg0, %dma_start3A_23, %dma_start3A_24] : memref<2x10000x128xf32, #tpu.memory_space<hbm>> -> memref<1x10000x128xf32, #tpu.memory_space<hbm>>
    %dma_start3A_26 = tpu.memref_squeeze %dma_start3A_25 : memref<1x10000x128xf32, #tpu.memory_space<hbm>> -> memref<10000x128xf32, #tpu.memory_space<hbm>>
    %dma_start3A_27 = arith.constant 0 : i32
    %dma_start3A_28 = arith.constant 0 : i32
    %dma_start3A_29 = tpu.memref_slice %dma_start3A_26[%dma_start3A_27, %dma_start3A_28] : memref<10000x128xf32, #tpu.memory_space<hbm>> -> memref<10000x128xf32, #tpu.memory_space<hbm>>
    tpu.enqueue_indirect_dma source(%dma_start3A_29 : memref<10000x128xf32, #tpu.memory_space<hbm>>) target(%dma_start3A_19 : memref<128x128xf32, #tpu.memory_space<vmem>>) offsets(%dma_start3A_22 : memref<128xi32, #tpu.memory_space<vmem>>) semaphore(%arg11 : memref<!tpu.dma_semaphore, #tpu.memory_space<semaphore_mem>>)
    %dma_start3A_30 = arith.constant 1 : i32
    %dma_start3A_31 = arith.constant 1 : i32
    %dma_start3A_32 = arith.constant 0 : i32
    %dma_start3A_33 = tpu.memref_slice %arg8[%dma_start3A_31, %dma_start3A_32] : memref<2x128xi32, #tpu.memory_space<vmem>> -> memref<1x128xi32, #tpu.memory_space<vmem>>
    %dma_start3A_34 = tpu.memref_squeeze %dma_start3A_33 : memref<1x128xi32, #tpu.memory_space<vmem>> -> memref<128xi32, #tpu.memory_space<vmem>>
    %dma_start3A_35 = arith.constant 0 : i32
    %dma_start3A_36 = tpu.memref_slice %arg4[%arg1, %dma_start3A_30, %dma_start3A_35] : memref<16x82x128xi32, #tpu.memory_space<hbm>> -> memref<1x1x128xi32, #tpu.memory_space<hbm>>
    %dma_start3A_37 = tpu.memref_squeeze %dma_start3A_36 : memref<1x1x128xi32, #tpu.memory_space<hbm>> -> memref<128xi32, #tpu.memory_space<hbm>>
    %dma_start3A_38 = arith.constant 0 : i32
    %dma_start3A_39 = tpu.memref_slice %arg8[%dma_start3A_31, %dma_start3A_38] : memref<2x128xi32, #tpu.memory_space<vmem>> -> memref<1x128xi32, #tpu.memory_space<vmem>>
    %dma_start3A_40 = tpu.memref_squeeze %dma_start3A_39 : memref<1x128xi32, #tpu.memory_space<vmem>> -> memref<128xi32, #tpu.memory_space<vmem>>
    %dma_start3A_41 = arith.constant 0 : i32
    %dma_start3A_42 = tpu.memref_slice %arg4[%arg1, %dma_start3A_30, %dma_start3A_41] : memref<16x82x128xi32, #tpu.memory_space<hbm>> -> memref<1x1x128xi32, #tpu.memory_space<hbm>>
    %dma_start3A_43 = tpu.memref_squeeze %dma_start3A_42 : memref<1x1x128xi32, #tpu.memory_space<hbm>> -> memref<128xi32, #tpu.memory_space<hbm>>
    tpu.enqueue_dma source(%dma_start3A_43 : memref<128xi32, #tpu.memory_space<hbm>>) target(%dma_start3A_40 : memref<128xi32, #tpu.memory_space<vmem>>) target_semaphore(%arg14 : memref<!tpu.dma_semaphore, #tpu.memory_space<semaphore_mem>>)
    %dma_start3A_44 = arith.constant 1 : i32
    %dma_start3A_45 = arith.constant 1 : i32
    %dma_start3A_46 = arith.constant 0 : i32
    %dma_start3A_47 = arith.constant 0 : i32
    %dma_start3A_48 = tpu.memref_slice %arg9[%dma_start3A_45, %dma_start3A_46, %dma_start3A_47] : memref<2x128x128xf32, #tpu.memory_space<vmem>> -> memref<1x128x128xf32, #tpu.memory_space<vmem>>
    %dma_start3A_49 = tpu.memref_squeeze %dma_start3A_48 : memref<1x128x128xf32, #tpu.memory_space<vmem>> -> memref<128x128xf32, #tpu.memory_space<vmem>>
    %dma_start3A_50 = arith.constant 0 : i32
    %dma_start3A_51 = tpu.memref_slice %arg7[%dma_start3A_44, %dma_start3A_50] : memref<82x128xi32, #tpu.memory_space<vmem>> -> memref<1x128xi32, #tpu.memory_space<vmem>>
    %dma_start3A_52 = tpu.memref_squeeze %dma_start3A_51 : memref<1x128xi32, #tpu.memory_space<vmem>> -> memref<128xi32, #tpu.memory_space<vmem>>
    %dma_start3A_53 = arith.constant 0 : i32
    %dma_start3A_54 = arith.constant 0 : i32
    %dma_start3A_55 = tpu.memref_slice %arg2[%arg0, %dma_start3A_53, %dma_start3A_54] : memref<2x10000x128xf32, #tpu.memory_space<hbm>> -> memref<1x10000x128xf32, #tpu.memory_space<hbm>>
    %dma_start3A_56 = tpu.memref_squeeze %dma_start3A_55 : memref<1x10000x128xf32, #tpu.memory_space<hbm>> -> memref<10000x128xf32, #tpu.memory_space<hbm>>
    %dma_start3A_57 = arith.constant 0 : i32
    %dma_start3A_58 = arith.constant 0 : i32
    %dma_start3A_59 = tpu.memref_slice %dma_start3A_56[%dma_start3A_57, %dma_start3A_58] : memref<10000x128xf32, #tpu.memory_space<hbm>> -> memref<10000x128xf32, #tpu.memory_space<hbm>>
    tpu.enqueue_indirect_dma source(%dma_start3A_59 : memref<10000x128xf32, #tpu.memory_space<hbm>>) target(%dma_start3A_49 : memref<128x128xf32, #tpu.memory_space<vmem>>) offsets(%dma_start3A_52 : memref<128xi32, #tpu.memory_space<vmem>>) semaphore(%arg12 : memref<!tpu.dma_semaphore, #tpu.memory_space<semaphore_mem>>)
    %scan3A = arith.constant 0 : i32
    %scan3A_60 = arith.constant 0 : i32
    %scan3A_61 = arith.constant 40 : i32
    %scan3A_62 = arith.addi %scan3A_60, %scan3A_61 : i32
    %scan3A_63 = arith.constant 1 : i32
    scf.for %scan3A_129 = %scan3A_60 to %scan3A_62 step %scan3A_63  : i32 {
      %mul3A_130 = arith.constant 2 : i32
      %mul3A_131 = arith.muli %scan3A_129, %mul3A_130 : i32
      %add3A = arith.constant 0 : i32
      %add3A_132 = arith.addi %mul3A_131, %add3A : i32
      %dma_wait3A_133 = arith.constant 0 : i32
      %dma_wait3A_134 = arith.constant 0 : i32
      %dma_wait3A_135 = arith.constant 0 : i32
      %dma_wait3A_136 = tpu.memref_slice %arg9[%dma_wait3A_133, %dma_wait3A_134, %dma_wait3A_135] : memref<2x128x128xf32, #tpu.memory_space<vmem>> -> memref<1x128x128xf32, #tpu.memory_space<vmem>>
      %dma_wait3A_137 = tpu.memref_squeeze %dma_wait3A_136 : memref<1x128x128xf32, #tpu.memory_space<vmem>> -> memref<128x128xf32, #tpu.memory_space<vmem>>
      %dma_wait3A_138 = arith.constant 0 : i32
      %dma_wait3A_139 = tpu.memref_slice %arg7[%add3A_132, %dma_wait3A_138] : memref<82x128xi32, #tpu.memory_space<vmem>> -> memref<1x128xi32, #tpu.memory_space<vmem>>
      %dma_wait3A_140 = tpu.memref_squeeze %dma_wait3A_139 : memref<1x128xi32, #tpu.memory_space<vmem>> -> memref<128xi32, #tpu.memory_space<vmem>>
      %dma_wait3A_141 = arith.constant 0 : i32
      %dma_wait3A_142 = arith.constant 0 : i32
      %dma_wait3A_143 = tpu.memref_slice %arg2[%arg0, %dma_wait3A_141, %dma_wait3A_142] : memref<2x10000x128xf32, #tpu.memory_space<hbm>> -> memref<1x10000x128xf32, #tpu.memory_space<hbm>>
      %dma_wait3A_144 = tpu.memref_squeeze %dma_wait3A_143 : memref<1x10000x128xf32, #tpu.memory_space<hbm>> -> memref<10000x128xf32, #tpu.memory_space<hbm>>
      %dma_wait3A_145 = arith.constant 0 : i32
      %dma_wait3A_146 = arith.constant 0 : i32
      %dma_wait3A_147 = tpu.memref_slice %dma_wait3A_144[%dma_wait3A_145, %dma_wait3A_146] : memref<10000x128xf32, #tpu.memory_space<hbm>> -> memref<10000x128xf32, #tpu.memory_space<hbm>>
      tpu.wait_indirect_dma semaphore(%arg11 : memref<!tpu.dma_semaphore, #tpu.memory_space<semaphore_mem>>) src(%dma_wait3A_147 : memref<10000x128xf32, #tpu.memory_space<hbm>>) dst(%dma_wait3A_137 : memref<128x128xf32, #tpu.memory_space<vmem>>)
      %dma_wait3A_148 = arith.constant 0 : i32
      %dma_wait3A_149 = arith.constant 0 : i32
      %dma_wait3A_150 = tpu.memref_slice %arg8[%dma_wait3A_148, %dma_wait3A_149] : memref<2x128xi32, #tpu.memory_space<vmem>> -> memref<1x128xi32, #tpu.memory_space<vmem>>
      %dma_wait3A_151 = tpu.memref_squeeze %dma_wait3A_150 : memref<1x128xi32, #tpu.memory_space<vmem>> -> memref<128xi32, #tpu.memory_space<vmem>>
      %dma_wait3A_152 = arith.constant 0 : i32
      %dma_wait3A_153 = tpu.memref_slice %arg4[%arg1, %add3A_132, %dma_wait3A_152] : memref<16x82x128xi32, #tpu.memory_space<hbm>> -> memref<1x1x128xi32, #tpu.memory_space<hbm>>
      %dma_wait3A_154 = tpu.memref_squeeze %dma_wait3A_153 : memref<1x1x128xi32, #tpu.memory_space<hbm>> -> memref<128xi32, #tpu.memory_space<hbm>>
      %dma_wait3A_155 = arith.constant 0 : i32
      %dma_wait3A_156 = tpu.memref_slice %arg8[%dma_wait3A_148, %dma_wait3A_155] : memref<2x128xi32, #tpu.memory_space<vmem>> -> memref<1x128xi32, #tpu.memory_space<vmem>>
      %dma_wait3A_157 = tpu.memref_squeeze %dma_wait3A_156 : memref<1x128xi32, #tpu.memory_space<vmem>> -> memref<128xi32, #tpu.memory_space<vmem>>
      %dma_wait3A_158 = arith.constant 0 : i32
      %dma_wait3A_159 = tpu.memref_slice %arg4[%arg1, %add3A_132, %dma_wait3A_158] : memref<16x82x128xi32, #tpu.memory_space<hbm>> -> memref<1x1x128xi32, #tpu.memory_space<hbm>>
      %dma_wait3A_160 = tpu.memref_squeeze %dma_wait3A_159 : memref<1x1x128xi32, #tpu.memory_space<hbm>> -> memref<128xi32, #tpu.memory_space<hbm>>
      tpu.wait_dma2 semaphore(%arg13 : memref<!tpu.dma_semaphore, #tpu.memory_space<semaphore_mem>>) src(%dma_wait3A_160 : memref<128xi32, #tpu.memory_space<hbm>>) dst(%dma_wait3A_157 : memref<128xi32, #tpu.memory_space<vmem>>)
      %dma_start3A_161 = arith.constant 0 : i32
      %dma_start3A_162 = arith.constant 0 : i32
      %dma_start3A_163 = arith.constant 0 : i32
      %dma_start3A_164 = arith.constant 0 : i32
      %dma_start3A_165 = tpu.memref_slice %arg9[%dma_start3A_161, %dma_start3A_163, %dma_start3A_164] : memref<2x128x128xf32, #tpu.memory_space<vmem>> -> memref<1x128x128xf32, #tpu.memory_space<vmem>>
      %dma_start3A_166 = tpu.memref_squeeze %dma_start3A_165 : memref<1x128x128xf32, #tpu.memory_space<vmem>> -> memref<128x128xf32, #tpu.memory_space<vmem>>
      %dma_start3A_167 = arith.constant 0 : i32
      %dma_start3A_168 = tpu.memref_slice %arg8[%dma_start3A_162, %dma_start3A_167] : memref<2x128xi32, #tpu.memory_space<vmem>> -> memref<1x128xi32, #tpu.memory_space<vmem>>
      %dma_start3A_169 = tpu.memref_squeeze %dma_start3A_168 : memref<1x128xi32, #tpu.memory_space<vmem>> -> memref<128xi32, #tpu.memory_space<vmem>>
      %dma_start3A_170 = arith.constant 0 : i32
      %dma_start3A_171 = arith.constant 0 : i32
      %dma_start3A_172 = tpu.memref_slice %arg10[%dma_start3A_170, %dma_start3A_171] : memref<10112x128xf32, #tpu.memory_space<vmem_shared>> -> memref<10112x128xf32, #tpu.memory_space<vmem_shared>>
      tpu.enqueue_indirect_dma source(%dma_start3A_166 : memref<128x128xf32, #tpu.memory_space<vmem>>) target(%dma_start3A_172 : memref<10112x128xf32, #tpu.memory_space<vmem_shared>>) offsets(%dma_start3A_169 : memref<128xi32, #tpu.memory_space<vmem>>) semaphore(%arg15 : memref<!tpu.dma_semaphore, #tpu.memory_space<semaphore_mem>>) {add = true}
      %dma_wait3A_173 = arith.constant 0 : i32
      %dma_wait3A_174 = arith.constant 0 : i32
      %dma_wait3A_175 = arith.constant 0 : i32
      %dma_wait3A_176 = arith.constant 0 : i32
      %dma_wait3A_177 = tpu.memref_slice %arg9[%dma_wait3A_173, %dma_wait3A_175, %dma_wait3A_176] : memref<2x128x128xf32, #tpu.memory_space<vmem>> -> memref<1x128x128xf32, #tpu.memory_space<vmem>>
      %dma_wait3A_178 = tpu.memref_squeeze %dma_wait3A_177 : memref<1x128x128xf32, #tpu.memory_space<vmem>> -> memref<128x128xf32, #tpu.memory_space<vmem>>
      %dma_wait3A_179 = arith.constant 0 : i32
      %dma_wait3A_180 = tpu.memref_slice %arg8[%dma_wait3A_174, %dma_wait3A_179] : memref<2x128xi32, #tpu.memory_space<vmem>> -> memref<1x128xi32, #tpu.memory_space<vmem>>
      %dma_wait3A_181 = tpu.memref_squeeze %dma_wait3A_180 : memref<1x128xi32, #tpu.memory_space<vmem>> -> memref<128xi32, #tpu.memory_space<vmem>>
      %dma_wait3A_182 = arith.constant 0 : i32
      %dma_wait3A_183 = arith.constant 0 : i32
      %dma_wait3A_184 = tpu.memref_slice %arg10[%dma_wait3A_182, %dma_wait3A_183] : memref<10112x128xf32, #tpu.memory_space<vmem_shared>> -> memref<10112x128xf32, #tpu.memory_space<vmem_shared>>
      tpu.wait_indirect_dma semaphore(%arg15 : memref<!tpu.dma_semaphore, #tpu.memory_space<semaphore_mem>>) src(%dma_wait3A_178 : memref<128x128xf32, #tpu.memory_space<vmem>>) dst(%dma_wait3A_184 : memref<10112x128xf32, #tpu.memory_space<vmem_shared>>)
      %add3A_185 = arith.constant 2 : i32
      %add3A_186 = arith.addi %add3A_132, %add3A_185 : i32
      %dma_start3A_187 = arith.constant 0 : i32
      %dma_start3A_188 = arith.constant 0 : i32
      %dma_start3A_189 = tpu.memref_slice %arg8[%dma_start3A_187, %dma_start3A_188] : memref<2x128xi32, #tpu.memory_space<vmem>> -> memref<1x128xi32, #tpu.memory_space<vmem>>
      %dma_start3A_190 = tpu.memref_squeeze %dma_start3A_189 : memref<1x128xi32, #tpu.memory_space<vmem>> -> memref<128xi32, #tpu.memory_space<vmem>>
      %dma_start3A_191 = arith.constant 0 : i32
      %dma_start3A_192 = tpu.memref_slice %arg4[%arg1, %add3A_186, %dma_start3A_191] : memref<16x82x128xi32, #tpu.memory_space<hbm>> -> memref<1x1x128xi32, #tpu.memory_space<hbm>>
      %dma_start3A_193 = tpu.memref_squeeze %dma_start3A_192 : memref<1x1x128xi32, #tpu.memory_space<hbm>> -> memref<128xi32, #tpu.memory_space<hbm>>
      %dma_start3A_194 = arith.constant 0 : i32
      %dma_start3A_195 = tpu.memref_slice %arg8[%dma_start3A_187, %dma_start3A_194] : memref<2x128xi32, #tpu.memory_space<vmem>> -> memref<1x128xi32, #tpu.memory_space<vmem>>
      %dma_start3A_196 = tpu.memref_squeeze %dma_start3A_195 : memref<1x128xi32, #tpu.memory_space<vmem>> -> memref<128xi32, #tpu.memory_space<vmem>>
      %dma_start3A_197 = arith.constant 0 : i32
      %dma_start3A_198 = tpu.memref_slice %arg4[%arg1, %add3A_186, %dma_start3A_197] : memref<16x82x128xi32, #tpu.memory_space<hbm>> -> memref<1x1x128xi32, #tpu.memory_space<hbm>>
      %dma_start3A_199 = tpu.memref_squeeze %dma_start3A_198 : memref<1x1x128xi32, #tpu.memory_space<hbm>> -> memref<128xi32, #tpu.memory_space<hbm>>
      tpu.enqueue_dma source(%dma_start3A_199 : memref<128xi32, #tpu.memory_space<hbm>>) target(%dma_start3A_196 : memref<128xi32, #tpu.memory_space<vmem>>) target_semaphore(%arg13 : memref<!tpu.dma_semaphore, #tpu.memory_space<semaphore_mem>>)
      %add3A_200 = arith.constant 2 : i32
      %add3A_201 = arith.addi %add3A_132, %add3A_200 : i32
      %dma_start3A_202 = arith.constant 0 : i32
      %dma_start3A_203 = arith.constant 0 : i32
      %dma_start3A_204 = arith.constant 0 : i32
      %dma_start3A_205 = tpu.memref_slice %arg9[%dma_start3A_202, %dma_start3A_203, %dma_start3A_204] : memref<2x128x128xf32, #tpu.memory_space<vmem>> -> memref<1x128x128xf32, #tpu.memory_space<vmem>>
      %dma_start3A_206 = tpu.memref_squeeze %dma_start3A_205 : memref<1x128x128xf32, #tpu.memory_space<vmem>> -> memref<128x128xf32, #tpu.memory_space<vmem>>
      %dma_start3A_207 = arith.constant 0 : i32
      %dma_start3A_208 = tpu.memref_slice %arg7[%add3A_201, %dma_start3A_207] : memref<82x128xi32, #tpu.memory_space<vmem>> -> memref<1x128xi32, #tpu.memory_space<vmem>>
      %dma_start3A_209 = tpu.memref_squeeze %dma_start3A_208 : memref<1x128xi32, #tpu.memory_space<vmem>> -> memref<128xi32, #tpu.memory_space<vmem>>
      %dma_start3A_210 = arith.constant 0 : i32
      %dma_start3A_211 = arith.constant 0 : i32
      %dma_start3A_212 = tpu.memref_slice %arg2[%arg0, %dma_start3A_210, %dma_start3A_211] : memref<2x10000x128xf32, #tpu.memory_space<hbm>> -> memref<1x10000x128xf32, #tpu.memory_space<hbm>>
      %dma_start3A_213 = tpu.memref_squeeze %dma_start3A_212 : memref<1x10000x128xf32, #tpu.memory_space<hbm>> -> memref<10000x128xf32, #tpu.memory_space<hbm>>
      %dma_start3A_214 = arith.constant 0 : i32
      %dma_start3A_215 = arith.constant 0 : i32
      %dma_start3A_216 = tpu.memref_slice %dma_start3A_213[%dma_start3A_214, %dma_start3A_215] : memref<10000x128xf32, #tpu.memory_space<hbm>> -> memref<10000x128xf32, #tpu.memory_space<hbm>>
      tpu.enqueue_indirect_dma source(%dma_start3A_216 : memref<10000x128xf32, #tpu.memory_space<hbm>>) target(%dma_start3A_206 : memref<128x128xf32, #tpu.memory_space<vmem>>) offsets(%dma_start3A_209 : memref<128xi32, #tpu.memory_space<vmem>>) semaphore(%arg11 : memref<!tpu.dma_semaphore, #tpu.memory_space<semaphore_mem>>)
      %add3A_217 = arith.constant 1 : i32
      %add3A_218 = arith.addi %mul3A_131, %add3A_217 : i32
      %dma_wait3A_219 = arith.constant 1 : i32
      %dma_wait3A_220 = arith.constant 0 : i32
      %dma_wait3A_221 = arith.constant 0 : i32
      %dma_wait3A_222 = tpu.memref_slice %arg9[%dma_wait3A_219, %dma_wait3A_220, %dma_wait3A_221] : memref<2x128x128xf32, #tpu.memory_space<vmem>> -> memref<1x128x128xf32, #tpu.memory_space<vmem>>
      %dma_wait3A_223 = tpu.memref_squeeze %dma_wait3A_222 : memref<1x128x128xf32, #tpu.memory_space<vmem>> -> memref<128x128xf32, #tpu.memory_space<vmem>>
      %dma_wait3A_224 = arith.constant 0 : i32
      %dma_wait3A_225 = tpu.memref_slice %arg7[%add3A_218, %dma_wait3A_224] : memref<82x128xi32, #tpu.memory_space<vmem>> -> memref<1x128xi32, #tpu.memory_space<vmem>>
      %dma_wait3A_226 = tpu.memref_squeeze %dma_wait3A_225 : memref<1x128xi32, #tpu.memory_space<vmem>> -> memref<128xi32, #tpu.memory_space<vmem>>
      %dma_wait3A_227 = arith.constant 0 : i32
      %dma_wait3A_228 = arith.constant 0 : i32
      %dma_wait3A_229 = tpu.memref_slice %arg2[%arg0, %dma_wait3A_227, %dma_wait3A_228] : memref<2x10000x128xf32, #tpu.memory_space<hbm>> -> memref<1x10000x128xf32, #tpu.memory_space<hbm>>
      %dma_wait3A_230 = tpu.memref_squeeze %dma_wait3A_229 : memref<1x10000x128xf32, #tpu.memory_space<hbm>> -> memref<10000x128xf32, #tpu.memory_space<hbm>>
      %dma_wait3A_231 = arith.constant 0 : i32
      %dma_wait3A_232 = arith.constant 0 : i32
      %dma_wait3A_233 = tpu.memref_slice %dma_wait3A_230[%dma_wait3A_231, %dma_wait3A_232] : memref<10000x128xf32, #tpu.memory_space<hbm>> -> memref<10000x128xf32, #tpu.memory_space<hbm>>
      tpu.wait_indirect_dma semaphore(%arg12 : memref<!tpu.dma_semaphore, #tpu.memory_space<semaphore_mem>>) src(%dma_wait3A_233 : memref<10000x128xf32, #tpu.memory_space<hbm>>) dst(%dma_wait3A_223 : memref<128x128xf32, #tpu.memory_space<vmem>>)
      %dma_wait3A_234 = arith.constant 1 : i32
      %dma_wait3A_235 = arith.constant 0 : i32
      %dma_wait3A_236 = tpu.memref_slice %arg8[%dma_wait3A_234, %dma_wait3A_235] : memref<2x128xi32, #tpu.memory_space<vmem>> -> memref<1x128xi32, #tpu.memory_space<vmem>>
      %dma_wait3A_237 = tpu.memref_squeeze %dma_wait3A_236 : memref<1x128xi32, #tpu.memory_space<vmem>> -> memref<128xi32, #tpu.memory_space<vmem>>
      %dma_wait3A_238 = arith.constant 0 : i32
      %dma_wait3A_239 = tpu.memref_slice %arg4[%arg1, %add3A_218, %dma_wait3A_238] : memref<16x82x128xi32, #tpu.memory_space<hbm>> -> memref<1x1x128xi32, #tpu.memory_space<hbm>>
      %dma_wait3A_240 = tpu.memref_squeeze %dma_wait3A_239 : memref<1x1x128xi32, #tpu.memory_space<hbm>> -> memref<128xi32, #tpu.memory_space<hbm>>
      %dma_wait3A_241 = arith.constant 0 : i32
      %dma_wait3A_242 = tpu.memref_slice %arg8[%dma_wait3A_234, %dma_wait3A_241] : memref<2x128xi32, #tpu.memory_space<vmem>> -> memref<1x128xi32, #tpu.memory_space<vmem>>
      %dma_wait3A_243 = tpu.memref_squeeze %dma_wait3A_242 : memref<1x128xi32, #tpu.memory_space<vmem>> -> memref<128xi32, #tpu.memory_space<vmem>>
      %dma_wait3A_244 = arith.constant 0 : i32
      %dma_wait3A_245 = tpu.memref_slice %arg4[%arg1, %add3A_218, %dma_wait3A_244] : memref<16x82x128xi32, #tpu.memory_space<hbm>> -> memref<1x1x128xi32, #tpu.memory_space<hbm>>
      %dma_wait3A_246 = tpu.memref_squeeze %dma_wait3A_245 : memref<1x1x128xi32, #tpu.memory_space<hbm>> -> memref<128xi32, #tpu.memory_space<hbm>>
      tpu.wait_dma2 semaphore(%arg14 : memref<!tpu.dma_semaphore, #tpu.memory_space<semaphore_mem>>) src(%dma_wait3A_246 : memref<128xi32, #tpu.memory_space<hbm>>) dst(%dma_wait3A_243 : memref<128xi32, #tpu.memory_space<vmem>>)
      %dma_start3A_247 = arith.constant 1 : i32
      %dma_start3A_248 = arith.constant 1 : i32
      %dma_start3A_249 = arith.constant 0 : i32
      %dma_start3A_250 = arith.constant 0 : i32
      %dma_start3A_251 = tpu.memref_slice %arg9[%dma_start3A_247, %dma_start3A_249, %dma_start3A_250] : memref<2x128x128xf32, #tpu.memory_space<vmem>> -> memref<1x128x128xf32, #tpu.memory_space<vmem>>
      %dma_start3A_252 = tpu.memref_squeeze %dma_start3A_251 : memref<1x128x128xf32, #tpu.memory_space<vmem>> -> memref<128x128xf32, #tpu.memory_space<vmem>>
      %dma_start3A_253 = arith.constant 0 : i32
      %dma_start3A_254 = tpu.memref_slice %arg8[%dma_start3A_248, %dma_start3A_253] : memref<2x128xi32, #tpu.memory_space<vmem>> -> memref<1x128xi32, #tpu.memory_space<vmem>>
      %dma_start3A_255 = tpu.memref_squeeze %dma_start3A_254 : memref<1x128xi32, #tpu.memory_space<vmem>> -> memref<128xi32, #tpu.memory_space<vmem>>
      %dma_start3A_256 = arith.constant 0 : i32
      %dma_start3A_257 = arith.constant 0 : i32
      %dma_start3A_258 = tpu.memref_slice %arg10[%dma_start3A_256, %dma_start3A_257] : memref<10112x128xf32, #tpu.memory_space<vmem_shared>> -> memref<10112x128xf32, #tpu.memory_space<vmem_shared>>
      tpu.enqueue_indirect_dma source(%dma_start3A_252 : memref<128x128xf32, #tpu.memory_space<vmem>>) target(%dma_start3A_258 : memref<10112x128xf32, #tpu.memory_space<vmem_shared>>) offsets(%dma_start3A_255 : memref<128xi32, #tpu.memory_space<vmem>>) semaphore(%arg15 : memref<!tpu.dma_semaphore, #tpu.memory_space<semaphore_mem>>) {add = true}
      %dma_wait3A_259 = arith.constant 1 : i32
      %dma_wait3A_260 = arith.constant 1 : i32
      %dma_wait3A_261 = arith.constant 0 : i32
      %dma_wait3A_262 = arith.constant 0 : i32
      %dma_wait3A_263 = tpu.memref_slice %arg9[%dma_wait3A_259, %dma_wait3A_261, %dma_wait3A_262] : memref<2x128x128xf32, #tpu.memory_space<vmem>> -> memref<1x128x128xf32, #tpu.memory_space<vmem>>
      %dma_wait3A_264 = tpu.memref_squeeze %dma_wait3A_263 : memref<1x128x128xf32, #tpu.memory_space<vmem>> -> memref<128x128xf32, #tpu.memory_space<vmem>>
      %dma_wait3A_265 = arith.constant 0 : i32
      %dma_wait3A_266 = tpu.memref_slice %arg8[%dma_wait3A_260, %dma_wait3A_265] : memref<2x128xi32, #tpu.memory_space<vmem>> -> memref<1x128xi32, #tpu.memory_space<vmem>>
      %dma_wait3A_267 = tpu.memref_squeeze %dma_wait3A_266 : memref<1x128xi32, #tpu.memory_space<vmem>> -> memref<128xi32, #tpu.memory_space<vmem>>
      %dma_wait3A_268 = arith.constant 0 : i32
      %dma_wait3A_269 = arith.constant 0 : i32
      %dma_wait3A_270 = tpu.memref_slice %arg10[%dma_wait3A_268, %dma_wait3A_269] : memref<10112x128xf32, #tpu.memory_space<vmem_shared>> -> memref<10112x128xf32, #tpu.memory_space<vmem_shared>>
      tpu.wait_indirect_dma semaphore(%arg15 : memref<!tpu.dma_semaphore, #tpu.memory_space<semaphore_mem>>) src(%dma_wait3A_264 : memref<128x128xf32, #tpu.memory_space<vmem>>) dst(%dma_wait3A_270 : memref<10112x128xf32, #tpu.memory_space<vmem_shared>>)
      %add3A_271 = arith.constant 2 : i32
      %add3A_272 = arith.addi %add3A_218, %add3A_271 : i32
      %dma_start3A_273 = arith.constant 1 : i32
      %dma_start3A_274 = arith.constant 0 : i32
      %dma_start3A_275 = tpu.memref_slice %arg8[%dma_start3A_273, %dma_start3A_274] : memref<2x128xi32, #tpu.memory_space<vmem>> -> memref<1x128xi32, #tpu.memory_space<vmem>>
      %dma_start3A_276 = tpu.memref_squeeze %dma_start3A_275 : memref<1x128xi32, #tpu.memory_space<vmem>> -> memref<128xi32, #tpu.memory_space<vmem>>
      %dma_start3A_277 = arith.constant 0 : i32
      %dma_start3A_278 = tpu.memref_slice %arg4[%arg1, %add3A_272, %dma_start3A_277] : memref<16x82x128xi32, #tpu.memory_space<hbm>> -> memref<1x1x128xi32, #tpu.memory_space<hbm>>
      %dma_start3A_279 = tpu.memref_squeeze %dma_start3A_278 : memref<1x1x128xi32, #tpu.memory_space<hbm>> -> memref<128xi32, #tpu.memory_space<hbm>>
      %dma_start3A_280 = arith.constant 0 : i32
      %dma_start3A_281 = tpu.memref_slice %arg8[%dma_start3A_273, %dma_start3A_280] : memref<2x128xi32, #tpu.memory_space<vmem>> -> memref<1x128xi32, #tpu.memory_space<vmem>>
      %dma_start3A_282 = tpu.memref_squeeze %dma_start3A_281 : memref<1x128xi32, #tpu.memory_space<vmem>> -> memref<128xi32, #tpu.memory_space<vmem>>
      %dma_start3A_283 = arith.constant 0 : i32
      %dma_start3A_284 = tpu.memref_slice %arg4[%arg1, %add3A_272, %dma_start3A_283] : memref<16x82x128xi32, #tpu.memory_space<hbm>> -> memref<1x1x128xi32, #tpu.memory_space<hbm>>
      %dma_start3A_285 = tpu.memref_squeeze %dma_start3A_284 : memref<1x1x128xi32, #tpu.memory_space<hbm>> -> memref<128xi32, #tpu.memory_space<hbm>>
      tpu.enqueue_dma source(%dma_start3A_285 : memref<128xi32, #tpu.memory_space<hbm>>) target(%dma_start3A_282 : memref<128xi32, #tpu.memory_space<vmem>>) target_semaphore(%arg14 : memref<!tpu.dma_semaphore, #tpu.memory_space<semaphore_mem>>)
      %add3A_286 = arith.constant 2 : i32
      %add3A_287 = arith.addi %add3A_218, %add3A_286 : i32
      %dma_start3A_288 = arith.constant 1 : i32
      %dma_start3A_289 = arith.constant 0 : i32
      %dma_start3A_290 = arith.constant 0 : i32
      %dma_start3A_291 = tpu.memref_slice %arg9[%dma_start3A_288, %dma_start3A_289, %dma_start3A_290] : memref<2x128x128xf32, #tpu.memory_space<vmem>> -> memref<1x128x128xf32, #tpu.memory_space<vmem>>
      %dma_start3A_292 = tpu.memref_squeeze %dma_start3A_291 : memref<1x128x128xf32, #tpu.memory_space<vmem>> -> memref<128x128xf32, #tpu.memory_space<vmem>>
      %dma_start3A_293 = arith.constant 0 : i32
      %dma_start3A_294 = tpu.memref_slice %arg7[%add3A_287, %dma_start3A_293] : memref<82x128xi32, #tpu.memory_space<vmem>> -> memref<1x128xi32, #tpu.memory_space<vmem>>
      %dma_start3A_295 = tpu.memref_squeeze %dma_start3A_294 : memref<1x128xi32, #tpu.memory_space<vmem>> -> memref<128xi32, #tpu.memory_space<vmem>>
      %dma_start3A_296 = arith.constant 0 : i32
      %dma_start3A_297 = arith.constant 0 : i32
      %dma_start3A_298 = tpu.memref_slice %arg2[%arg0, %dma_start3A_296, %dma_start3A_297] : memref<2x10000x128xf32, #tpu.memory_space<hbm>> -> memref<1x10000x128xf32, #tpu.memory_space<hbm>>
      %dma_start3A_299 = tpu.memref_squeeze %dma_start3A_298 : memref<1x10000x128xf32, #tpu.memory_space<hbm>> -> memref<10000x128xf32, #tpu.memory_space<hbm>>
      %dma_start3A_300 = arith.constant 0 : i32
      %dma_start3A_301 = arith.constant 0 : i32
      %dma_start3A_302 = tpu.memref_slice %dma_start3A_299[%dma_start3A_300, %dma_start3A_301] : memref<10000x128xf32, #tpu.memory_space<hbm>> -> memref<10000x128xf32, #tpu.memory_space<hbm>>
      tpu.enqueue_indirect_dma source(%dma_start3A_302 : memref<10000x128xf32, #tpu.memory_space<hbm>>) target(%dma_start3A_292 : memref<128x128xf32, #tpu.memory_space<vmem>>) offsets(%dma_start3A_295 : memref<128xi32, #tpu.memory_space<vmem>>) semaphore(%arg12 : memref<!tpu.dma_semaphore, #tpu.memory_space<semaphore_mem>>)
    }
    %scan3A_64 = arith.constant 40 : i32
    %dma_wait3A = arith.constant 80 : i32
    %dma_wait3A_65 = arith.constant 0 : i32
    %dma_wait3A_66 = arith.constant 0 : i32
    %dma_wait3A_67 = arith.constant 0 : i32
    %dma_wait3A_68 = tpu.memref_slice %arg9[%dma_wait3A_65, %dma_wait3A_66, %dma_wait3A_67] : memref<2x128x128xf32, #tpu.memory_space<vmem>> -> memref<1x128x128xf32, #tpu.memory_space<vmem>>
    %dma_wait3A_69 = tpu.memref_squeeze %dma_wait3A_68 : memref<1x128x128xf32, #tpu.memory_space<vmem>> -> memref<128x128xf32, #tpu.memory_space<vmem>>
    %dma_wait3A_70 = arith.constant 0 : i32
    %dma_wait3A_71 = tpu.memref_slice %arg7[%dma_wait3A, %dma_wait3A_70] : memref<82x128xi32, #tpu.memory_space<vmem>> -> memref<1x128xi32, #tpu.memory_space<vmem>>
    %dma_wait3A_72 = tpu.memref_squeeze %dma_wait3A_71 : memref<1x128xi32, #tpu.memory_space<vmem>> -> memref<128xi32, #tpu.memory_space<vmem>>
    %dma_wait3A_73 = arith.constant 0 : i32
    %dma_wait3A_74 = arith.constant 0 : i32
    %dma_wait3A_75 = tpu.memref_slice %arg2[%arg0, %dma_wait3A_73, %dma_wait3A_74] : memref<2x10000x128xf32, #tpu.memory_space<hbm>> -> memref<1x10000x128xf32, #tpu.memory_space<hbm>>
    %dma_wait3A_76 = tpu.memref_squeeze %dma_wait3A_75 : memref<1x10000x128xf32, #tpu.memory_space<hbm>> -> memref<10000x128xf32, #tpu.memory_space<hbm>>
    %dma_wait3A_77 = arith.constant 0 : i32
    %dma_wait3A_78 = arith.constant 0 : i32
    %dma_wait3A_79 = tpu.memref_slice %dma_wait3A_76[%dma_wait3A_77, %dma_wait3A_78] : memref<10000x128xf32, #tpu.memory_space<hbm>> -> memref<10000x128xf32, #tpu.memory_space<hbm>>
    tpu.wait_indirect_dma semaphore(%arg11 : memref<!tpu.dma_semaphore, #tpu.memory_space<semaphore_mem>>) src(%dma_wait3A_79 : memref<10000x128xf32, #tpu.memory_space<hbm>>) dst(%dma_wait3A_69 : memref<128x128xf32, #tpu.memory_space<vmem>>)
    %dma_wait3A_80 = arith.constant 80 : i32
    %dma_wait3A_81 = arith.constant 0 : i32
    %dma_wait3A_82 = arith.constant 0 : i32
    %dma_wait3A_83 = tpu.memref_slice %arg8[%dma_wait3A_81, %dma_wait3A_82] : memref<2x128xi32, #tpu.memory_space<vmem>> -> memref<1x128xi32, #tpu.memory_space<vmem>>
    %dma_wait3A_84 = tpu.memref_squeeze %dma_wait3A_83 : memref<1x128xi32, #tpu.memory_space<vmem>> -> memref<128xi32, #tpu.memory_space<vmem>>
    %dma_wait3A_85 = arith.constant 0 : i32
    %dma_wait3A_86 = tpu.memref_slice %arg4[%arg1, %dma_wait3A_80, %dma_wait3A_85] : memref<16x82x128xi32, #tpu.memory_space<hbm>> -> memref<1x1x128xi32, #tpu.memory_space<hbm>>
    %dma_wait3A_87 = tpu.memref_squeeze %dma_wait3A_86 : memref<1x1x128xi32, #tpu.memory_space<hbm>> -> memref<128xi32, #tpu.memory_space<hbm>>
    %dma_wait3A_88 = arith.constant 0 : i32
    %dma_wait3A_89 = tpu.memref_slice %arg8[%dma_wait3A_81, %dma_wait3A_88] : memref<2x128xi32, #tpu.memory_space<vmem>> -> memref<1x128xi32, #tpu.memory_space<vmem>>
    %dma_wait3A_90 = tpu.memref_squeeze %dma_wait3A_89 : memref<1x128xi32, #tpu.memory_space<vmem>> -> memref<128xi32, #tpu.memory_space<vmem>>
    %dma_wait3A_91 = arith.constant 0 : i32
    %dma_wait3A_92 = tpu.memref_slice %arg4[%arg1, %dma_wait3A_80, %dma_wait3A_91] : memref<16x82x128xi32, #tpu.memory_space<hbm>> -> memref<1x1x128xi32, #tpu.memory_space<hbm>>
    %dma_wait3A_93 = tpu.memref_squeeze %dma_wait3A_92 : memref<1x1x128xi32, #tpu.memory_space<hbm>> -> memref<128xi32, #tpu.memory_space<hbm>>
    tpu.wait_dma2 semaphore(%arg13 : memref<!tpu.dma_semaphore, #tpu.memory_space<semaphore_mem>>) src(%dma_wait3A_93 : memref<128xi32, #tpu.memory_space<hbm>>) dst(%dma_wait3A_90 : memref<128xi32, #tpu.memory_space<vmem>>)
    %dma_wait3A_94 = arith.constant 81 : i32
    %dma_wait3A_95 = arith.constant 1 : i32
    %dma_wait3A_96 = arith.constant 0 : i32
    %dma_wait3A_97 = arith.constant 0 : i32
    %dma_wait3A_98 = tpu.memref_slice %arg9[%dma_wait3A_95, %dma_wait3A_96, %dma_wait3A_97] : memref<2x128x128xf32, #tpu.memory_space<vmem>> -> memref<1x128x128xf32, #tpu.memory_space<vmem>>
    %dma_wait3A_99 = tpu.memref_squeeze %dma_wait3A_98 : memref<1x128x128xf32, #tpu.memory_space<vmem>> -> memref<128x128xf32, #tpu.memory_space<vmem>>
    %dma_wait3A_100 = arith.constant 0 : i32
    %dma_wait3A_101 = tpu.memref_slice %arg7[%dma_wait3A_94, %dma_wait3A_100] : memref<82x128xi32, #tpu.memory_space<vmem>> -> memref<1x128xi32, #tpu.memory_space<vmem>>
    %dma_wait3A_102 = tpu.memref_squeeze %dma_wait3A_101 : memref<1x128xi32, #tpu.memory_space<vmem>> -> memref<128xi32, #tpu.memory_space<vmem>>
    %dma_wait3A_103 = arith.constant 0 : i32
    %dma_wait3A_104 = arith.constant 0 : i32
    %dma_wait3A_105 = tpu.memref_slice %arg2[%arg0, %dma_wait3A_103, %dma_wait3A_104] : memref<2x10000x128xf32, #tpu.memory_space<hbm>> -> memref<1x10000x128xf32, #tpu.memory_space<hbm>>
    %dma_wait3A_106 = tpu.memref_squeeze %dma_wait3A_105 : memref<1x10000x128xf32, #tpu.memory_space<hbm>> -> memref<10000x128xf32, #tpu.memory_space<hbm>>
    %dma_wait3A_107 = arith.constant 0 : i32
    %dma_wait3A_108 = arith.constant 0 : i32
    %dma_wait3A_109 = tpu.memref_slice %dma_wait3A_106[%dma_wait3A_107, %dma_wait3A_108] : memref<10000x128xf32, #tpu.memory_space<hbm>> -> memref<10000x128xf32, #tpu.memory_space<hbm>>
    tpu.wait_indirect_dma semaphore(%arg12 : memref<!tpu.dma_semaphore, #tpu.memory_space<semaphore_mem>>) src(%dma_wait3A_109 : memref<10000x128xf32, #tpu.memory_space<hbm>>) dst(%dma_wait3A_99 : memref<128x128xf32, #tpu.memory_space<vmem>>)
    %dma_wait3A_110 = arith.constant 81 : i32
    %dma_wait3A_111 = arith.constant 1 : i32
    %dma_wait3A_112 = arith.constant 0 : i32
    %dma_wait3A_113 = tpu.memref_slice %arg8[%dma_wait3A_111, %dma_wait3A_112] : memref<2x128xi32, #tpu.memory_space<vmem>> -> memref<1x128xi32, #tpu.memory_space<vmem>>
    %dma_wait3A_114 = tpu.memref_squeeze %dma_wait3A_113 : memref<1x128xi32, #tpu.memory_space<vmem>> -> memref<128xi32, #tpu.memory_space<vmem>>
    %dma_wait3A_115 = arith.constant 0 : i32
    %dma_wait3A_116 = tpu.memref_slice %arg4[%arg1, %dma_wait3A_110, %dma_wait3A_115] : memref<16x82x128xi32, #tpu.memory_space<hbm>> -> memref<1x1x128xi32, #tpu.memory_space<hbm>>
    %dma_wait3A_117 = tpu.memref_squeeze %dma_wait3A_116 : memref<1x1x128xi32, #tpu.memory_space<hbm>> -> memref<128xi32, #tpu.memory_space<hbm>>
    %dma_wait3A_118 = arith.constant 0 : i32
    %dma_wait3A_119 = tpu.memref_slice %arg8[%dma_wait3A_111, %dma_wait3A_118] : memref<2x128xi32, #tpu.memory_space<vmem>> -> memref<1x128xi32, #tpu.memory_space<vmem>>
    %dma_wait3A_120 = tpu.memref_squeeze %dma_wait3A_119 : memref<1x128xi32, #tpu.memory_space<vmem>> -> memref<128xi32, #tpu.memory_space<vmem>>
    %dma_wait3A_121 = arith.constant 0 : i32
    %dma_wait3A_122 = tpu.memref_slice %arg4[%arg1, %dma_wait3A_110, %dma_wait3A_121] : memref<16x82x128xi32, #tpu.memory_space<hbm>> -> memref<1x1x128xi32, #tpu.memory_space<hbm>>
    %dma_wait3A_123 = tpu.memref_squeeze %dma_wait3A_122 : memref<1x1x128xi32, #tpu.memory_space<hbm>> -> memref<128xi32, #tpu.memory_space<hbm>>
    tpu.wait_dma2 semaphore(%arg14 : memref<!tpu.dma_semaphore, #tpu.memory_space<semaphore_mem>>) src(%dma_wait3A_123 : memref<128xi32, #tpu.memory_space<hbm>>) dst(%dma_wait3A_120 : memref<128xi32, #tpu.memory_space<vmem>>)
    %barrier3A_124 = arith.constant 0 : index
    tpu.barrier barrier_id(%barrier3A_124)
    %mul3A_125 = arith.constant 632 : i32
    %mul3A_126 = arith.muli %arg1, %mul3A_125 : i32
    %mul3A_127 = arith.constant 632 : i32
    %mul3A_128 = arith.muli %arg1, %mul3A_127 : i32
    "tpu.region"() ({
      %run_scoped3A = tpu.sem_alloc : memref<!tpu.dma_semaphore, #tpu.memory_space<semaphore_mem>>
      %dma_start3A_129 = arith.constant 0 : i32
      %dma_start3A_130 = tpu.memref_slice %arg6[%arg0, %mul3A_128, %dma_start3A_129] : memref<2x10112x128xf32, #tpu.memory_space<hbm>> -> memref<1x632x128xf32, #tpu.memory_space<hbm>>
      %dma_start3A_131 = tpu.memref_squeeze %dma_start3A_130 : memref<1x632x128xf32, #tpu.memory_space<hbm>> -> memref<632x128xf32, #tpu.memory_space<hbm>>
      %dma_start3A_132 = arith.constant 0 : i32
      %dma_start3A_133 = tpu.memref_slice %arg10[%mul3A_126, %dma_start3A_132] : memref<10112x128xf32, #tpu.memory_space<vmem_shared>> -> memref<632x128xf32, #tpu.memory_space<vmem_shared>>
      tpu.enqueue_dma source(%dma_start3A_133 : memref<632x128xf32, #tpu.memory_space<vmem_shared>>) target(%dma_start3A_131 : memref<632x128xf32, #tpu.memory_space<hbm>>) target_semaphore(%run_scoped3A : memref<!tpu.dma_semaphore, #tpu.memory_space<semaphore_mem>>)
      %dma_wait3A_134 = arith.constant 0 : i32
      %dma_wait3A_135 = tpu.memref_slice %arg6[%arg0, %mul3A_128, %dma_wait3A_134] : memref<2x10112x128xf32, #tpu.memory_space<hbm>> -> memref<1x632x128xf32, #tpu.memory_space<hbm>>
      %dma_wait3A_136 = tpu.memref_squeeze %dma_wait3A_135 : memref<1x632x128xf32, #tpu.memory_space<hbm>> -> memref<632x128xf32, #tpu.memory_space<hbm>>
      %dma_wait3A_137 = arith.constant 0 : i32
      %dma_wait3A_138 = tpu.memref_slice %arg10[%mul3A_126, %dma_wait3A_137] : memref<10112x128xf32, #tpu.memory_space<vmem_shared>> -> memref<632x128xf32, #tpu.memory_space<vmem_shared>>
      tpu.wait_dma2 semaphore(%run_scoped3A : memref<!tpu.dma_semaphore, #tpu.memory_space<semaphore_mem>>) src(%dma_wait3A_138 : memref<632x128xf32, #tpu.memory_space<vmem_shared>>) dst(%dma_wait3A_136 : memref<632x128xf32, #tpu.memory_space<hbm>>)
      tpu.yield
    }) : () -> ()
    return
  }
}

module attributes {stable_mosaic.version = 14 : i64} {
  func.func @_norms_body(%arg0: i32, %arg1: memref<2000x256xf32, #tpu.memory_space<vmem>>, %arg2: memref<2000x1xf32, #tpu.memory_space<vmem>>, %arg3: memref<2000x1xf32, #tpu.memory_space<vmem>>, %arg4: memref<2x2000x128xf32, #tpu.memory_space<vmem>>, %arg5: memref<2000x1xf32, #tpu.memory_space<vmem>>, %arg6: memref<2000x1xf32, #tpu.memory_space<vmem>>) attributes {dimension_semantics = [#tpu.dimension_semantics<arbitrary>], iteration_bounds = array<i64: 5>, scalar_prefetch = 0 : i64, scratch_operands = 0 : i64, tpu.core_type = #tpu.core_type<tc>, window_params = [{transform_indices = @transform_0, window_bounds = array<i64: 2000, 256>}, {transform_indices = @transform_1, window_bounds = array<i64: 2000, 1>}, {transform_indices = @transform_2, window_bounds = array<i64: 2000, 1>}, {transform_indices = @transform_3, window_bounds = array<i64: 2, 2000, 128>}, {transform_indices = @transform_4, window_bounds = array<i64: 2000, 1>}, {transform_indices = @transform_5, window_bounds = array<i64: 2000, 1>}]} {
    %get3A = arith.constant 0 : index
    %get3A_0 = arith.constant 0 : index
    %get3A_1 = vector.load %arg2[%get3A, %get3A_0] : memref<2000x1xf32, #tpu.memory_space<vmem>>, vector<2000x1xf32>
    %max3A = arith.constant 1.000000e+00 : f32
    %max3A_2 = vector.broadcast %max3A : f32 to vector<2000x1xf32>
    %max3A_3 = arith.maximumf %get3A_1, %max3A_2 : vector<2000x1xf32>
    %rsqrt3A = math.rsqrt %max3A_3 : vector<2000x1xf32>
    %get3A_4 = arith.constant 0 : index
    %get3A_5 = arith.constant 0 : index
    %get3A_6 = vector.load %arg3[%get3A_4, %get3A_5] : memref<2000x1xf32, #tpu.memory_space<vmem>>, vector<2000x1xf32>
    %max3A_7 = arith.constant 1.000000e+00 : f32
    %max3A_8 = vector.broadcast %max3A_7 : f32 to vector<2000x1xf32>
    %max3A_9 = arith.maximumf %get3A_6, %max3A_8 : vector<2000x1xf32>
    %rsqrt3A_10 = math.rsqrt %max3A_9 : vector<2000x1xf32>
    %swap3A = arith.constant 0 : index
    %swap3A_11 = arith.constant 0 : index
    %swap3A_12 = vector.load %arg5[%swap3A, %swap3A_11] : memref<2000x1xf32, #tpu.memory_space<vmem>>, vector<2000x1xf32>
    tpu.vector_store %arg5[%swap3A, %swap3A_11], %rsqrt3A {strides = array<i32>} : memref<2000x1xf32, #tpu.memory_space<vmem>>, vector<2000x1xf32>,
    %swap3A_13 = arith.constant 0 : index
    %swap3A_14 = arith.constant 0 : index
    %swap3A_15 = vector.load %arg6[%swap3A_13, %swap3A_14] : memref<2000x1xf32, #tpu.memory_space<vmem>>, vector<2000x1xf32>
    tpu.vector_store %arg6[%swap3A_13, %swap3A_14], %rsqrt3A_10 {strides = array<i32>} : memref<2000x1xf32, #tpu.memory_space<vmem>>, vector<2000x1xf32>,
    %get3A_16 = arith.constant 0 : index
    %get3A_17 = arith.constant 0 : index
    %get3A_18 = vector.load %arg1[%get3A_16, %get3A_17] : memref<2000x256xf32, #tpu.memory_space<vmem>>, vector<2000x256xf32>
    %mul3A = vector.broadcast %rsqrt3A : vector<2000x1xf32> to vector<2000x256xf32>
    %mul3A_19 = arith.mulf %get3A_18, %mul3A : vector<2000x256xf32>
    %slice3A = vector.extract_strided_slice %mul3A_19 {offsets = [0, 0], sizes = [2000, 128], strides = [1, 1]} : vector<2000x256xf32> to vector<2000x128xf32>
    %swap3A_20 = arith.constant 0 : index
    %swap3A_21 = arith.constant 0 : index
    %swap3A_22 = arith.constant 0 : index
    %swap3A_23 = vector.load %arg4[%swap3A_20, %swap3A_21, %swap3A_22] : memref<2x2000x128xf32, #tpu.memory_space<vmem>>, vector<1x2000x128xf32>
    %swap3A_24 = vector.shape_cast %swap3A_23 : vector<1x2000x128xf32> to vector<2000x128xf32>
    %swap3A_25 = vector.shape_cast %slice3A : vector<2000x128xf32> to vector<1x2000x128xf32>
    tpu.vector_store %arg4[%swap3A_20, %swap3A_21, %swap3A_22], %swap3A_25 {strides = array<i32>} : memref<2x2000x128xf32, #tpu.memory_space<vmem>>, vector<1x2000x128xf32>,
    %slice3A_26 = vector.extract_strided_slice %mul3A_19 {offsets = [0, 128], sizes = [2000, 128], strides = [1, 1]} : vector<2000x256xf32> to vector<2000x128xf32>
    %swap3A_27 = arith.constant 1 : index
    %swap3A_28 = arith.constant 0 : index
    %swap3A_29 = arith.constant 0 : index
    %swap3A_30 = vector.load %arg4[%swap3A_27, %swap3A_28, %swap3A_29] : memref<2x2000x128xf32, #tpu.memory_space<vmem>>, vector<1x2000x128xf32>
    %swap3A_31 = vector.shape_cast %swap3A_30 : vector<1x2000x128xf32> to vector<2000x128xf32>
    %swap3A_32 = vector.shape_cast %slice3A_26 : vector<2000x128xf32> to vector<1x2000x128xf32>
    tpu.vector_store %arg4[%swap3A_27, %swap3A_28, %swap3A_29], %swap3A_32 {strides = array<i32>} : memref<2x2000x128xf32, #tpu.memory_space<vmem>>, vector<1x2000x128xf32>,
    return
  }
  func.func @transform_0(%arg0: i32) -> (i32, i32) {
    %c0_i32 = arith.constant 0 : i32
    %c0_i32_0 = arith.constant 0 : i32
    return %arg0, %c0_i32 : i32, i32
  }
  func.func @transform_1(%arg0: i32) -> (i32, i32) {
    %c0_i32 = arith.constant 0 : i32
    %c0_i32_0 = arith.constant 0 : i32
    return %arg0, %c0_i32 : i32, i32
  }
  func.func @transform_2(%arg0: i32) -> (i32, i32) {
    %c0_i32 = arith.constant 0 : i32
    %c0_i32_0 = arith.constant 0 : i32
    return %arg0, %c0_i32 : i32, i32
  }
  func.func @transform_3(%arg0: i32) -> (i32, i32, i32) {
    %c0_i32 = arith.constant 0 : i32
    %c0_i32_0 = arith.constant 0 : i32
    %c0_i32_1 = arith.constant 0 : i32
    return %c0_i32, %arg0, %c0_i32_0 : i32, i32, i32
  }
  func.func @transform_4(%arg0: i32) -> (i32, i32) {
    %c0_i32 = arith.constant 0 : i32
    %c0_i32_0 = arith.constant 0 : i32
    return %arg0, %c0_i32 : i32, i32
  }
  func.func @transform_5(%arg0: i32) -> (i32, i32) {
    %c0_i32 = arith.constant 0 : i32
    %c0_i32_0 = arith.constant 0 : i32
    return %arg0, %c0_i32 : i32, i32
  }
}

module attributes {stable_mosaic.version = 14 : i64} {
  func.func @_layer1_body(%arg0: i32, %arg1: memref<2x2000x128xf32, #tpu.memory_space<vmem>>, %arg2: memref<256x256xf32, #tpu.memory_space<vmem>>, %arg3: memref<1x256xf32, #tpu.memory_space<vmem>>, %arg4: memref<2000x1xf32, #tpu.memory_space<vmem>>, %arg5: memref<2000x1xf32, #tpu.memory_space<vmem>>, %arg6: memref<2x2000x128xf32, #tpu.memory_space<vmem>>) attributes {dimension_semantics = [#tpu.dimension_semantics<arbitrary>], iteration_bounds = array<i64: 5>, scalar_prefetch = 0 : i64, scratch_operands = 0 : i64, tpu.core_type = #tpu.core_type<tc>, window_params = [{transform_indices = @transform_0, window_bounds = array<i64: 2, 2000, 128>}, {pipeline_mode = #tpu.pipeline_mode<synchronous>, transform_indices = @transform_1, window_bounds = array<i64: 256, 256>}, {pipeline_mode = #tpu.pipeline_mode<synchronous>, transform_indices = @transform_2, window_bounds = array<i64: 1, 256>}, {transform_indices = @transform_3, window_bounds = array<i64: 2000, 1>}, {transform_indices = @transform_4, window_bounds = array<i64: 2000, 1>}, {transform_indices = @transform_5, window_bounds = array<i64: 2, 2000, 128>}]} {
    %get3A = arith.constant 0 : index
    %get3A_0 = arith.constant 0 : index
    %get3A_1 = arith.constant 0 : index
    %get3A_2 = vector.load %arg1[%get3A, %get3A_0, %get3A_1] : memref<2x2000x128xf32, #tpu.memory_space<vmem>>, vector<1x2000x128xf32>
    %get3A_3 = vector.shape_cast %get3A_2 : vector<1x2000x128xf32> to vector<2000x128xf32>
    %get3A_4 = arith.constant 0 : index
    %get3A_5 = arith.constant 0 : index
    %get3A_6 = vector.load %arg2[%get3A_4, %get3A_5] : memref<256x256xf32, #tpu.memory_space<vmem>>, vector<128x256xf32>
    %dot_general3A = arith.constant dense<0.000000e+00> : vector<2000x256xf32>
    %dot_general3A_7 = tpu.matmul %get3A_3, %get3A_6, %dot_general3A {dimension_numbers = #tpu.dot_dimension_numbers<[1], [0], [0], [1], [0, 0, 1, 1], [], []>, transpose_lhs_hint = false} : vector<2000x128xf32>, vector<128x256xf32>, vector<2000x256xf32> -> vector<2000x256xf32>
    %get3A_8 = arith.constant 1 : index
    %get3A_9 = arith.constant 0 : index
    %get3A_10 = arith.constant 0 : index
    %get3A_11 = vector.load %arg1[%get3A_8, %get3A_9, %get3A_10] : memref<2x2000x128xf32, #tpu.memory_space<vmem>>, vector<1x2000x128xf32>
    %get3A_12 = vector.shape_cast %get3A_11 : vector<1x2000x128xf32> to vector<2000x128xf32>
    %get3A_13 = arith.constant 128 : index
    %get3A_14 = arith.constant 0 : index
    %get3A_15 = vector.load %arg2[%get3A_13, %get3A_14] : memref<256x256xf32, #tpu.memory_space<vmem>>, vector<128x256xf32>
    %dot_general3A_16 = arith.constant dense<0.000000e+00> : vector<2000x256xf32>
    %dot_general3A_17 = tpu.matmul %get3A_12, %get3A_15, %dot_general3A_16 {dimension_numbers = #tpu.dot_dimension_numbers<[1], [0], [0], [1], [0, 0, 1, 1], [], []>, transpose_lhs_hint = false} : vector<2000x128xf32>, vector<128x256xf32>, vector<2000x256xf32> -> vector<2000x256xf32>
    %add3A = arith.addf %dot_general3A_7, %dot_general3A_17 : vector<2000x256xf32>
    %get3A_18 = arith.constant 0 : index
    %get3A_19 = arith.constant 0 : index
    %get3A_20 = vector.load %arg4[%get3A_18, %get3A_19] : memref<2000x1xf32, #tpu.memory_space<vmem>>, vector<2000x1xf32>
    %mul3A = vector.broadcast %get3A_20 : vector<2000x1xf32> to vector<2000x256xf32>
    %mul3A_21 = arith.mulf %add3A, %mul3A : vector<2000x256xf32>
    %get3A_22 = arith.constant 0 : index
    %get3A_23 = arith.constant 0 : index
    %get3A_24 = vector.load %arg3[%get3A_22, %get3A_23] : memref<1x256xf32, #tpu.memory_space<vmem>>, vector<1x256xf32>
    %add3A_25 = vector.broadcast %get3A_24 : vector<1x256xf32> to vector<2000x256xf32>
    %add3A_26 = arith.addf %mul3A_21, %add3A_25 : vector<2000x256xf32>
    %max3A = arith.constant 0.000000e+00 : f32
    %max3A_27 = vector.broadcast %max3A : f32 to vector<2000x256xf32>
    %max3A_28 = arith.maximumf %add3A_26, %max3A_27 : vector<2000x256xf32>
    %get3A_29 = arith.constant 0 : index
    %get3A_30 = arith.constant 0 : index
    %get3A_31 = vector.load %arg5[%get3A_29, %get3A_30] : memref<2000x1xf32, #tpu.memory_space<vmem>>, vector<2000x1xf32>
    %mul3A_32 = vector.broadcast %get3A_31 : vector<2000x1xf32> to vector<2000x256xf32>
    %mul3A_33 = arith.mulf %max3A_28, %mul3A_32 : vector<2000x256xf32>
    %slice3A = vector.extract_strided_slice %mul3A_33 {offsets = [0, 0], sizes = [2000, 128], strides = [1, 1]} : vector<2000x256xf32> to vector<2000x128xf32>
    %swap3A = arith.constant 0 : index
    %swap3A_34 = arith.constant 0 : index
    %swap3A_35 = arith.constant 0 : index
    %swap3A_36 = vector.load %arg6[%swap3A, %swap3A_34, %swap3A_35] : memref<2x2000x128xf32, #tpu.memory_space<vmem>>, vector<1x2000x128xf32>
    %swap3A_37 = vector.shape_cast %swap3A_36 : vector<1x2000x128xf32> to vector<2000x128xf32>
    %swap3A_38 = vector.shape_cast %slice3A : vector<2000x128xf32> to vector<1x2000x128xf32>
    tpu.vector_store %arg6[%swap3A, %swap3A_34, %swap3A_35], %swap3A_38 {strides = array<i32>} : memref<2x2000x128xf32, #tpu.memory_space<vmem>>, vector<1x2000x128xf32>,
    %slice3A_39 = vector.extract_strided_slice %mul3A_33 {offsets = [0, 128], sizes = [2000, 128], strides = [1, 1]} : vector<2000x256xf32> to vector<2000x128xf32>
    %swap3A_40 = arith.constant 1 : index
    %swap3A_41 = arith.constant 0 : index
    %swap3A_42 = arith.constant 0 : index
    %swap3A_43 = vector.load %arg6[%swap3A_40, %swap3A_41, %swap3A_42] : memref<2x2000x128xf32, #tpu.memory_space<vmem>>, vector<1x2000x128xf32>
    %swap3A_44 = vector.shape_cast %swap3A_43 : vector<1x2000x128xf32> to vector<2000x128xf32>
    %swap3A_45 = vector.shape_cast %slice3A_39 : vector<2000x128xf32> to vector<1x2000x128xf32>
    tpu.vector_store %arg6[%swap3A_40, %swap3A_41, %swap3A_42], %swap3A_45 {strides = array<i32>} : memref<2x2000x128xf32, #tpu.memory_space<vmem>>, vector<1x2000x128xf32>,
    return
  }
  func.func @transform_0(%arg0: i32) -> (i32, i32, i32) {
    %c0_i32 = arith.constant 0 : i32
    %c0_i32_0 = arith.constant 0 : i32
    %c0_i32_1 = arith.constant 0 : i32
    return %c0_i32, %arg0, %c0_i32_0 : i32, i32, i32
  }
  func.func @transform_1(%arg0: i32) -> (i32, i32) {
    %c0_i32 = arith.constant 0 : i32
    %c0_i32_0 = arith.constant 0 : i32
    %c0_i32_1 = arith.constant 0 : i32
    return %c0_i32, %c0_i32_0 : i32, i32
  }
  func.func @transform_2(%arg0: i32) -> (i32, i32) {
    %c0_i32 = arith.constant 0 : i32
    %c0_i32_0 = arith.constant 0 : i32
    %c0_i32_1 = arith.constant 0 : i32
    return %c0_i32, %c0_i32_0 : i32, i32
  }
  func.func @transform_3(%arg0: i32) -> (i32, i32) {
    %c0_i32 = arith.constant 0 : i32
    %c0_i32_0 = arith.constant 0 : i32
    return %arg0, %c0_i32 : i32, i32
  }
  func.func @transform_4(%arg0: i32) -> (i32, i32) {
    %c0_i32 = arith.constant 0 : i32
    %c0_i32_0 = arith.constant 0 : i32
    return %arg0, %c0_i32 : i32, i32
  }
  func.func @transform_5(%arg0: i32) -> (i32, i32, i32) {
    %c0_i32 = arith.constant 0 : i32
    %c0_i32_0 = arith.constant 0 : i32
    %c0_i32_1 = arith.constant 0 : i32
    return %c0_i32, %arg0, %c0_i32_0 : i32, i32, i32
  }
}

module attributes {stable_mosaic.version = 14 : i64} {
  func.func @_layer2_body(%arg0: i32, %arg1: memref<2x2000x128xf32, #tpu.memory_space<vmem>>, %arg2: memref<256x128xf32, #tpu.memory_space<vmem>>, %arg3: memref<256x128xf32, #tpu.memory_space<vmem>>, %arg4: memref<1x128xf32, #tpu.memory_space<vmem>>, %arg5: memref<1x128xf32, #tpu.memory_space<vmem>>, %arg6: memref<2000x1xf32, #tpu.memory_space<vmem>>, %arg7: memref<2000x128xf32, #tpu.memory_space<vmem>>, %arg8: memref<2000x128xf32, #tpu.memory_space<vmem>>) attributes {dimension_semantics = [#tpu.dimension_semantics<arbitrary>], iteration_bounds = array<i64: 5>, scalar_prefetch = 0 : i64, scratch_operands = 0 : i64, tpu.core_type = #tpu.core_type<tc>, window_params = [{transform_indices = @transform_0, window_bounds = array<i64: 2, 2000, 128>}, {pipeline_mode = #tpu.pipeline_mode<synchronous>, transform_indices = @transform_1, window_bounds = array<i64: 256, 128>}, {pipeline_mode = #tpu.pipeline_mode<synchronous>, transform_indices = @transform_2, window_bounds = array<i64: 256, 128>}, {pipeline_mode = #tpu.pipeline_mode<synchronous>, transform_indices = @transform_3, window_bounds = array<i64: 1, 128>}, {pipeline_mode = #tpu.pipeline_mode<synchronous>, transform_indices = @transform_4, window_bounds = array<i64: 1, 128>}, {transform_indices = @transform_5, window_bounds = array<i64: 2000, 1>}, {transform_indices = @transform_6, window_bounds = array<i64: 2000, 128>}, {transform_indices = @transform_7, window_bounds = array<i64: 2000, 128>}]} {
    %get3A = arith.constant 0 : index
    %get3A_0 = arith.constant 0 : index
    %get3A_1 = arith.constant 0 : index
    %get3A_2 = vector.load %arg1[%get3A, %get3A_0, %get3A_1] : memref<2x2000x128xf32, #tpu.memory_space<vmem>>, vector<1x2000x128xf32>
    %get3A_3 = vector.shape_cast %get3A_2 : vector<1x2000x128xf32> to vector<2000x128xf32>
    %get3A_4 = arith.constant 1 : index
    %get3A_5 = arith.constant 0 : index
    %get3A_6 = arith.constant 0 : index
    %get3A_7 = vector.load %arg1[%get3A_4, %get3A_5, %get3A_6] : memref<2x2000x128xf32, #tpu.memory_space<vmem>>, vector<1x2000x128xf32>
    %get3A_8 = vector.shape_cast %get3A_7 : vector<1x2000x128xf32> to vector<2000x128xf32>
    %get3A_9 = arith.constant 0 : index
    %get3A_10 = arith.constant 0 : index
    %get3A_11 = vector.load %arg2[%get3A_9, %get3A_10] : memref<256x128xf32, #tpu.memory_space<vmem>>, vector<128x128xf32>
    %dot_general3A = arith.constant dense<0.000000e+00> : vector<2000x128xf32>
    %dot_general3A_12 = tpu.matmul %get3A_3, %get3A_11, %dot_general3A {dimension_numbers = #tpu.dot_dimension_numbers<[1], [0], [0], [1], [0, 0, 1, 1], [], []>, transpose_lhs_hint = false} : vector<2000x128xf32>, vector<128x128xf32>, vector<2000x128xf32> -> vector<2000x128xf32>
    %get3A_13 = arith.constant 128 : index
    %get3A_14 = arith.constant 0 : index
    %get3A_15 = vector.load %arg2[%get3A_13, %get3A_14] : memref<256x128xf32, #tpu.memory_space<vmem>>, vector<128x128xf32>
    %dot_general3A_16 = arith.constant dense<0.000000e+00> : vector<2000x128xf32>
    %dot_general3A_17 = tpu.matmul %get3A_8, %get3A_15, %dot_general3A_16 {dimension_numbers = #tpu.dot_dimension_numbers<[1], [0], [0], [1], [0, 0, 1, 1], [], []>, transpose_lhs_hint = false} : vector<2000x128xf32>, vector<128x128xf32>, vector<2000x128xf32> -> vector<2000x128xf32>
    %add3A = arith.addf %dot_general3A_12, %dot_general3A_17 : vector<2000x128xf32>
    %get3A_18 = arith.constant 0 : index
    %get3A_19 = arith.constant 0 : index
    %get3A_20 = vector.load %arg6[%get3A_18, %get3A_19] : memref<2000x1xf32, #tpu.memory_space<vmem>>, vector<2000x1xf32>
    %mul3A = vector.broadcast %get3A_20 : vector<2000x1xf32> to vector<2000x128xf32>
    %mul3A_21 = arith.mulf %add3A, %mul3A : vector<2000x128xf32>
    %get3A_22 = arith.constant 0 : index
    %get3A_23 = arith.constant 0 : index
    %get3A_24 = vector.load %arg4[%get3A_22, %get3A_23] : memref<1x128xf32, #tpu.memory_space<vmem>>, vector<1x128xf32>
    %add3A_25 = vector.broadcast %get3A_24 : vector<1x128xf32> to vector<2000x128xf32>
    %add3A_26 = arith.addf %mul3A_21, %add3A_25 : vector<2000x128xf32>
    %get3A_27 = arith.constant 0 : index
    %get3A_28 = arith.constant 0 : index
    %get3A_29 = vector.load %arg3[%get3A_27, %get3A_28] : memref<256x128xf32, #tpu.memory_space<vmem>>, vector<128x128xf32>
    %dot_general3A_30 = arith.constant dense<0.000000e+00> : vector<2000x128xf32>
    %dot_general3A_31 = tpu.matmul %get3A_3, %get3A_29, %dot_general3A_30 {dimension_numbers = #tpu.dot_dimension_numbers<[1], [0], [0], [1], [0, 0, 1, 1], [], []>, transpose_lhs_hint = false} : vector<2000x128xf32>, vector<128x128xf32>, vector<2000x128xf32> -> vector<2000x128xf32>
    %get3A_32 = arith.constant 128 : index
    %get3A_33 = arith.constant 0 : index
    %get3A_34 = vector.load %arg3[%get3A_32, %get3A_33] : memref<256x128xf32, #tpu.memory_space<vmem>>, vector<128x128xf32>
    %dot_general3A_35 = arith.constant dense<0.000000e+00> : vector<2000x128xf32>
    %dot_general3A_36 = tpu.matmul %get3A_8, %get3A_34, %dot_general3A_35 {dimension_numbers = #tpu.dot_dimension_numbers<[1], [0], [0], [1], [0, 0, 1, 1], [], []>, transpose_lhs_hint = false} : vector<2000x128xf32>, vector<128x128xf32>, vector<2000x128xf32> -> vector<2000x128xf32>
    %add3A_37 = arith.addf %dot_general3A_31, %dot_general3A_36 : vector<2000x128xf32>
    %get3A_38 = arith.constant 0 : index
    %get3A_39 = arith.constant 0 : index
    %get3A_40 = vector.load %arg6[%get3A_38, %get3A_39] : memref<2000x1xf32, #tpu.memory_space<vmem>>, vector<2000x1xf32>
    %mul3A_41 = vector.broadcast %get3A_40 : vector<2000x1xf32> to vector<2000x128xf32>
    %mul3A_42 = arith.mulf %add3A_37, %mul3A_41 : vector<2000x128xf32>
    %get3A_43 = arith.constant 0 : index
    %get3A_44 = arith.constant 0 : index
    %get3A_45 = vector.load %arg5[%get3A_43, %get3A_44] : memref<1x128xf32, #tpu.memory_space<vmem>>, vector<1x128xf32>
    %add3A_46 = vector.broadcast %get3A_45 : vector<1x128xf32> to vector<2000x128xf32>
    %add3A_47 = arith.addf %mul3A_42, %add3A_46 : vector<2000x128xf32>
    %get3A_48 = arith.constant 0 : index
    %get3A_49 = arith.constant 0 : index
    %get3A_50 = vector.load %arg7[%get3A_48, %get3A_49] : memref<2000x128xf32, #tpu.memory_space<vmem>>, vector<2000x128xf32>
    %exp3A = math.exp %add3A_47 : vector<2000x128xf32>
    %mul3A_51 = arith.mulf %get3A_50, %exp3A : vector<2000x128xf32>
    %add3A_52 = arith.addf %add3A_26, %mul3A_51 : vector<2000x128xf32>
    %swap3A = arith.constant 0 : index
    %swap3A_53 = arith.constant 0 : index
    %swap3A_54 = vector.load %arg8[%swap3A, %swap3A_53] : memref<2000x128xf32, #tpu.memory_space<vmem>>, vector<2000x128xf32>
    tpu.vector_store %arg8[%swap3A, %swap3A_53], %add3A_52 {strides = array<i32>} : memref<2000x128xf32, #tpu.memory_space<vmem>>, vector<2000x128xf32>,
    return
  }
  func.func @transform_0(%arg0: i32) -> (i32, i32, i32) {
    %c0_i32 = arith.constant 0 : i32
    %c0_i32_0 = arith.constant 0 : i32
    %c0_i32_1 = arith.constant 0 : i32
    return %c0_i32, %arg0, %c0_i32_0 : i32, i32, i32
  }
  func.func @transform_1(%arg0: i32) -> (i32, i32) {
    %c0_i32 = arith.constant 0 : i32
    %c0_i32_0 = arith.constant 0 : i32
    %c0_i32_1 = arith.constant 0 : i32
    return %c0_i32, %c0_i32_0 : i32, i32
  }
  func.func @transform_2(%arg0: i32) -> (i32, i32) {
    %c0_i32 = arith.constant 0 : i32
    %c0_i32_0 = arith.constant 0 : i32
    %c0_i32_1 = arith.constant 0 : i32
    return %c0_i32, %c0_i32_0 : i32, i32
  }
  func.func @transform_3(%arg0: i32) -> (i32, i32) {
    %c0_i32 = arith.constant 0 : i32
    %c0_i32_0 = arith.constant 0 : i32
    %c0_i32_1 = arith.constant 0 : i32
    return %c0_i32, %c0_i32_0 : i32, i32
  }
  func.func @transform_4(%arg0: i32) -> (i32, i32) {
    %c0_i32 = arith.constant 0 : i32
    %c0_i32_0 = arith.constant 0 : i32
    %c0_i32_1 = arith.constant 0 : i32
    return %c0_i32, %c0_i32_0 : i32, i32
  }
  func.func @transform_5(%arg0: i32) -> (i32, i32) {
    %c0_i32 = arith.constant 0 : i32
    %c0_i32_0 = arith.constant 0 : i32
    return %arg0, %c0_i32 : i32, i32
  }
  func.func @transform_6(%arg0: i32) -> (i32, i32) {
    %c0_i32 = arith.constant 0 : i32
    %c0_i32_0 = arith.constant 0 : i32
    return %arg0, %c0_i32 : i32, i32
  }
  func.func @transform_7(%arg0: i32) -> (i32, i32) {
    %c0_i32 = arith.constant 0 : i32
    %c0_i32_0 = arith.constant 0 : i32
    return %arg0, %c0_i32 : i32, i32
  }
}

module attributes {stable_mosaic.version = 14 : i64} {
  func.func @_decoder_body(%arg0: i32, %arg1: i32, %arg2: memref<2000x128xf32, #tpu.memory_space<vmem>>, %arg3: memref<2048x128xf32, #tpu.memory_space<vmem>>, %arg4: memref<2000x2048xf32, #tpu.memory_space<vmem>>) attributes {dimension_semantics = [#tpu.dimension_semantics<arbitrary>, #tpu.dimension_semantics<arbitrary>], iteration_bounds = array<i64: 5, 5>, scalar_prefetch = 0 : i64, scratch_operands = 0 : i64, tpu.core_type = #tpu.core_type<tc>, window_params = [{transform_indices = @transform_0, window_bounds = array<i64: 2000, 128>}, {transform_indices = @transform_1, window_bounds = array<i64: 2048, 128>}, {transform_indices = @transform_2, window_bounds = array<i64: 2000, 2048>}]} {
    %get3A = arith.constant 0 : index
    %get3A_0 = arith.constant 0 : index
    %get3A_1 = vector.load %arg2[%get3A, %get3A_0] : memref<2000x128xf32, #tpu.memory_space<vmem>>, vector<2000x128xf32>
    %get3A_2 = arith.constant 0 : index
    %get3A_3 = arith.constant 0 : index
    %get3A_4 = vector.load %arg3[%get3A_2, %get3A_3] : memref<2048x128xf32, #tpu.memory_space<vmem>>, vector<2048x128xf32>
    %dot_general3A = arith.constant dense<0.000000e+00> : vector<2000x2048xf32>
    %dot_general3A_5 = tpu.matmul %get3A_1, %get3A_4, %dot_general3A {dimension_numbers = #tpu.dot_dimension_numbers<[1], [1], [0], [0], [0, 0, 1, 0], [], []>, transpose_lhs_hint = false} : vector<2000x128xf32>, vector<2048x128xf32>, vector<2000x2048xf32> -> vector<2000x2048xf32>
    %logistic3A = arith.negf %dot_general3A_5 : vector<2000x2048xf32>
    %logistic3A_6 = math.exp %logistic3A : vector<2000x2048xf32>
    %logistic3A_7 = arith.constant 1.000000e+00 : f32
    %logistic3A_8 = vector.broadcast %logistic3A_7 : f32 to vector<2000x2048xf32>
    %logistic3A_9 = arith.addf %logistic3A_8, %logistic3A_6 : vector<2000x2048xf32>
    %logistic3A_10 = arith.divf %logistic3A_8, %logistic3A_9 : vector<2000x2048xf32>
    %swap3A = arith.constant 0 : index
    %swap3A_11 = arith.constant 0 : index
    %swap3A_12 = vector.load %arg4[%swap3A, %swap3A_11] : memref<2000x2048xf32, #tpu.memory_space<vmem>>, vector<2000x2048xf32>
    tpu.vector_store %arg4[%swap3A, %swap3A_11], %logistic3A_10 {strides = array<i32>} : memref<2000x2048xf32, #tpu.memory_space<vmem>>, vector<2000x2048xf32>,
    return
  }
  func.func @transform_0(%arg0: i32, %arg1: i32) -> (i32, i32) {
    %c0_i32 = arith.constant 0 : i32
    %c0_i32_0 = arith.constant 0 : i32
    return %arg0, %c0_i32 : i32, i32
  }
  func.func @transform_1(%arg0: i32, %arg1: i32) -> (i32, i32) {
    %c0_i32 = arith.constant 0 : i32
    %c0_i32_0 = arith.constant 0 : i32
    return %arg1, %c0_i32 : i32, i32
  }
  func.func @transform_2(%arg0: i32, %arg1: i32) -> (i32, i32) {
    %c0_i32 = arith.constant 0 : i32
    return %arg0, %arg1 : i32, i32
  }
}

</mosaic_0001>

<sc_bundles>
// kernel: kernel.12.cloned.1.call-start
scs
__scs_entry_jumppad:
0x0: {  	(pc) =	sbr.rel $0x88, $3  }
0x1: {  	(tag) =	ssettag $0x0;
	lr =	simm.s32 $0x1  }
0x2: {  	[smem:$0x3F99] =	sst lr;
	_ =	strace $0xD0000000  }
0x3: {  	_ = 	snop  }
0x4: {  	_ = 	snop  }
0x5: {  	_ = 	snop  }
0x6: {  	_ = 	snop  }
0x7: {  	_ = 	snop  }
__scs_overlays_trampoline_lowered:
0x8: {  	[smem:$0x3FA8] =	sst s0  }
0x9: {  	[smem:$0x3FA9] =	sst s1  }
0xa: {  	[smem:$0x3FAA] =	sst s2  }
0xb: {  	[smem:$0x3FAB] =	sst s3  }
0xc: {  	[smem:$0x3FAC] =	sst s4  }
0xd: {  	[smem:$0x3FAD] =	sst s5  }
0xe: {  	[smem:$0x3FAE] =	sst s6  }
0xf: {  	[smem:$0x3FAF] =	sst s7  }
0x10: {  	[smem:$0x3FB0] =	sst s8  }
0x11: {  	[smem:$0x3FB1] =	sst s9;
	s0 =	simm.s32 @!p0 $0x0  }
0x12: {  	s1 =	sld [smem:$0x3F97];
	s0 =	simm.s32 @p0 $0x1  }
0x13: {  	[smem:$0x3FB2] =	sst s0;
	s0 =	simm.s32 @!p1 $0x0  }
0x14: {  	s2 =	sld [smem:$0x3F96];
	s0 =	simm.s32 @p1 $0x1  }
0x15: {  	[smem:$0x3FB3] =	sst s0;
	s0 =	simm.s32 @!p2 $0x0  }
0x16: {  	s3 =	sld [smem:$0x3FDB];
	s0 =	simm.s32 @p2 $0x1  }
0x17: {  	s4 =	simm.s32 $0x1BF5;
	[smem:$0x3FB5] =	sst s0  }
0x18: {  	s0 =	sld [smem:$0x3F98];
	_ =	swait.ge [sflag:s4], $0x0  }
0x19: {  	s7 =	sld [smem:$0x3F99]  }
0x1a: {  	s8 =	sadd.s32 $0xFFFFE003, lr  }
0x1b: {  	s9 =	sadd.s32 $0xFFFFFEF7, lr;
	s5 =	simm.s32 $0xFFFFFFFF;
	p2 =	slt.u32 s8, $0xFFFFF086  }
0x1c: {  	p1 =	slt.u32 s9, $0xF7A;
	s5 =	simm.s32 @!p2 $0x0  }
0x1d: {  	s5 =	simm.s32 @p1 $0x1;
	p0 =	seq.s32 s7, s2  }
0x1e: {  	s7 =	smul.u32 @!p0 $0xF7A, s2;
	p2 =	seq.s32 @!p0 s5, $0x0  }
0x1f: {  	s9 =	smul.u32 $0xF7A, s1;
	s8 =	simm.s32 @!p0 $0x1BF5;
	p2 =	por !p2, p0  }
0x20: {  	[sflag:s8] =	ssyncset.s32 @!p0 $0xFFFFF086;
	s6 =	sadd.s32 @!p0 s3, s7;
	s7 =	simm.s32 @!p0 $0x108  }
0x21: {  	s3 =	sadd.s32 s3, s9;
	s6 =	sadd.s32 @!p0 $0x88, s6;
	s7 =	simm.s32 @p2 $0x1082  }
0x22: {  	[simem:s7], [sflag:s8] =	dma.local @!p0 [hbm:s6], $0xF7A  }
0x23: {  	s9 =	sor.u32 $0xD0000000, s2;
	s6 =	simm.s32 $0x108;
	_ =	swait.ge @!p0 [sflag:s8], $0x0  }
0x24: {  	s3 =	sadd.s32 $0x88, s3;
	s6 =	simm.s32 @!p1 $0x1082;
	[sflag:s4] =	ssyncset.s32 $0xFFFFF086  }
0x25: {  	[simem:s6], [sflag:s4] =	dma.local [hbm:s3], $0xF7A  }
0x26: {  	[smem:$0x3F99] =	sst s1;
	(tag) =	ssettag s2;
	_ =	strace s9  }
0x27: {  	s1 =	sld [smem:$0x3FA9]  }
0x28: {  	s2 =	sld [smem:$0x3FAA]  }
0x29: {  	s4 =	sld [smem:$0x3FAC]  }
0x2a: {  	p0 =	seq.s32 s5, $0x0;
	s5 =	sld [smem:$0x3FAD]  }
0x2b: {  	s6 =	sld [smem:$0x3FAE]  }
0x2c: {  	s7 =	sld [smem:$0x3FAF]  }
0x2d: {  	s3 =	simm.s32 $0x108;
	s8 =	sld [smem:$0x3FB0]  }
0x2e: {  	s3 =	simm.s32 @!p0 $0x1082;
	s9 =	sld [smem:$0x3FB1]  }
0x2f: {  	lr =	sadd.s32 s0, s3;
	s0 =	sld [smem:$0x3FA8]  }
0x30: {  	s3 =	sld [smem:$0x3FAB]  }
0x31: {  	[smem:$0x3FB4] =	sst s10  }
0x32: {  	s10 =	sld [smem:$0x3FB2];
	_ =	sdelay $0x3  }
0x33: {  	p0 =	seq.s32 s10, $0x1;
	s10 =	sld [smem:$0x3FB4];
	_ =	sdelay $0x3  }
0x34: {  	[smem:$0x3FB4] =	sst s10  }
0x35: {  	s10 =	sld [smem:$0x3FB3];
	_ =	sdelay $0x3  }
0x36: {  	p1 =	seq.s32 s10, $0x1;
	s10 =	sld [smem:$0x3FB4];
	_ =	sdelay $0x3  }
0x37: {  	[smem:$0x3FB4] =	sst s10  }
0x38: {  	s10 =	sld [smem:$0x3FB5]  }
0x39: {  	_ = 	snop;
	(pc) =	sbr.ind lr, $3  }
0x3a: {  	_ = 	snop  }
0x3b: {  	_ = 	snop  }
0x3c: {  	p2 =	seq.s32 s10, $0x1;
	s10 =	sld [smem:$0x3FB4]  }
0x3d: {  	_ =	shalt  }
0x3e: {  	_ =	shalt  }
0x3f: {  	_ =	shalt  }
0x40: {  	_ =	shalt  }
0x41: {  	_ =	shalt  }
0x42: {  	_ =	shalt  }
0x43: {  	_ =	shalt  }
0x44: {  	_ =	shalt  }
0x45: {  	_ =	shalt  }
0x46: {  	_ =	shalt  }
0x47: {  	_ =	shalt  }
0x48: {  	_ =	shalt  }
0x49: {  	_ =	shalt  }
0x4a: {  	_ =	shalt  }
0x4b: {  	_ =	shalt  }
0x4c: {  	_ =	shalt  }
0x4d: {  	_ =	shalt  }
0x4e: {  	_ =	shalt  }
0x4f: {  	_ =	shalt  }
0x50: {  	_ =	shalt  }
0x51: {  	_ =	shalt  }
0x52: {  	_ =	shalt  }
0x53: {  	_ =	shalt  }
0x54: {  	_ =	shalt  }
0x55: {  	_ =	shalt  }
0x56: {  	_ =	shalt  }
0x57: {  	_ =	shalt  }
0x58: {  	_ =	shalt  }
0x59: {  	_ =	shalt  }
0x5a: {  	_ =	shalt  }
0x5b: {  	_ =	shalt  }
0x5c: {  	_ =	shalt  }
0x5d: {  	_ =	shalt  }
0x5e: {  	_ =	shalt  }
0x5f: {  	_ =	shalt  }
0x60: {  	_ =	shalt  }
0x61: {  	_ =	shalt  }
0x62: {  	_ =	shalt  }
0x63: {  	_ =	shalt  }
0x64: {  	_ =	shalt  }
0x65: {  	_ =	shalt  }
0x66: {  	_ =	shalt  }
0x67: {  	_ =	shalt  }
0x68: {  	_ =	shalt  }
0x69: {  	_ =	shalt  }
0x6a: {  	_ =	shalt  }
0x6b: {  	_ =	shalt  }
0x6c: {  	_ =	shalt  }
0x6d: {  	_ =	shalt  }
0x6e: {  	_ =	shalt  }
0x6f: {  	_ =	shalt  }
0x70: {  	_ =	shalt  }
0x71: {  	_ =	shalt  }
0x72: {  	_ =	shalt  }
0x73: {  	_ =	shalt  }
0x74: {  	_ =	shalt  }
0x75: {  	_ =	shalt  }
0x76: {  	_ =	shalt  }
0x77: {  	_ =	shalt  }
0x78: {  	_ =	shalt  }
0x79: {  	_ =	shalt  }
0x7a: {  	_ =	shalt  }
0x7b: {  	_ =	shalt  }
0x7c: {  	_ =	shalt  }
0x7d: {  	_ =	shalt  }
0x7e: {  	_ =	shalt  }
0x7f: {  	_ =	shalt  }
0x80: {  	_ =	shalt  }
0x81: {  	_ =	shalt  }
0x82: {  	_ =	shalt  }
0x83: {  	_ =	shalt  }
0x84: {  	_ =	shalt  }
0x85: {  	_ =	shalt  }
0x86: {  	_ =	shalt  }
0x87: {  	_ =	shalt  }
.Lfunc_end0:
.L_simem_size_0:
called_computation.1_lowered:
.L_overlay_start_0:
0x88: {  	s2 =	sld [smem:$0x3FD9]  }
0x89: {  	s3 =	sld [smem:$0x3FFE];
	_ =	sdelay $0x1  }
0x8a: {  	s1 =	srdreg.scid  }
0x8b: {  	s0 =	sand.u32 $0x1, s1  }
0x8c: {  	s17 =	sshll.u32 s0, $0xA;
	s2 =	sadd.s32 s3, s2  }
0x8d: {  	s2 =	sadd.s32 s2, s17  }
0x8e: {  	[smem:$0x3FC0] =	sst s2  }
0x8f: {  	_ = 	snop  }
0x90: {  	s2 =	sld [smem:$0x3FD0];
	(tm) =	ssettm $0x1  }
0x91: {  	s18 =	sld [smem:$0x3FFB];
	_ =	sdelay $0x3  }
0x92: {  	_ =	strace s18  }
0x93: {  	s3 =	sld [smem:$0x3FFC];
	_ =	sdelay $0x3  }
0x94: {  	_ =	strace s3  }
0x95: {  	s3 =	sld [smem:$0x3FFD];
	_ =	sdelay $0x3  }
0x96: {  	_ =	strace s3  }
0x97: {  	_ =	strace $0x8FFFFFFF  }
0x98: {  	s19 =	sld [smem:$0x3FDB];
	_ =	sdelay $0x1  }
0x99: {  	s4 =	simm.s32 $_scs_section_size  }
0x9a: {  	s5 =	simm.s32 $_size__tile_overlayer_lowered;
	s6 =	simm.s32 $_tile_overlayer_lowered  }
0x9b: {  	s22 =	simm.s32 $0x1BFF;
	s21 =	sshll.u32 s6, $0x1;
	s3 =	sadd.s32 s4, s19  }
0x9c: {  	s7 =	simm.s32 $0x0;
	s20 =	sshll.u32 s5, $0x1;
	s5 =	sadd.s32 s21, s3  }
0x9d: {  	[timem:s7], [sflag:s22] =	dma.local [hbm:s5], s20  }
0x9e: {  	_ =	swait.ge [sflag:s22], s20  }
0x9f: {  	s4 =	ssub.s32 $0x0, s20;
	[sflag:s22] =	ssyncset.done $0x0  }
0xa0: {  	[sflag:s22] =	ssyncadd.s32 s4;
	_ =	sdelay $0x1  }
0xa1: {  	s23 =	simm.s32 $0x1B8B  }
0xa2: {  	_ =	swait.ge [sflag:s23], $0x1  }
0xa3: {  	[sflag:s23] =	ssyncset.done $0x0  }
0xa4: {  	s25 =	simm.s32 $0x1B8E;
	s24 =	sld [smem:$0x3FFE];
	[sflag:s23] =	ssyncadd.s32 $0xFFFFFFFF  }
0xa5: {  	s26 =	simm.s32 $execute0_lowered;
	[smem:$0x3FD2] =	sst s25  }
0xa6: {  	s5 =	sshll.u32 s26, $0x1;
	_ =	strace $0x80000049;
	[dreg:$0x1] =	wrdreg $0xFFFFFFFF  }
0xa7: {  	s28 =	simm.s32 $_size_execute0_lowered;
	s3 =	sadd.s32 s3, s5;
	[dreg:$0x0] =	wrdreg $0x0  }
0xa8: {  	s5 =	sshll.u32 s28, $0x1;
	[dreg:$0x2] =	wrdreg s3  }
0xa9: {  	[dreg:$0x3] =	wrdreg s5  }
0xaa: {  	[dreg:$0x4] =	wrdreg $0xC0  }
0xab: {  	_ =	task [dreg:s7], $0x5FFFF  }
0xac: {  	[dreg:$0x1] =	wrdreg $0xFFFFFFFF  }
0xad: {  	[dreg:$0x0] =	wrdreg $0x60  }
0xae: {  	[dreg:$0x2] =	wrdreg s24  }
0xaf: {  	[dreg:$0x3] =	wrdreg s2  }
0xb0: {  	[dreg:$0x4] =	wrdreg $0xAD000  }
0xb1: {  	[dreg:$0x5] =	wrdreg $0x9  }
0xb2: {  	_ =	task.clear_ibuf [dreg:s7], $0x6FFFF;
	_ =	strace $0x90000049  }
0xb3: {  	s29 =	simm.s32 $0x9;
	_ =	strace $0x8000004B  }
0xb4: {  	_ =	swait.ge [sflag:s29], $0x1  }
0xb5: {  	[sflag:s29] =	ssyncadd.s32 $0xFFFFFFFF  }
0xb6: {  	_ =	strace $0x9000004B  }
0xb7: {  	_ =	sfence  }
0xb8: {  	s30 =	sld [smem:$0x0];
	_ =	sdelay $0x2  }
0xb9: {  	s31 =	sshll.u32 s1, $0xD;
	s1 =	sshrl.u32 s1, $0x2  }
0xba: {  	s3 =	sand.u32 $0x4000, s31;
	s1 =	sadd.s32 s1, s30  }
0xbb: {  	s0 =	sor.u32 s3, s0;
	s1 =	sshll.u32 s1, $0x11  }
0xbc: {  	s0 =	sor.u32 s1, s0  }
0xbd: {  	s0 =	sadd.s32 $0x8F2B, s0  }
0xbe: {  	[sflag:s0] =	ssyncadd.remote.s32 $0x1  }
0xbf: {  	_ =	sfence.sel $0xFFFF  }
0xc0: {  	[dreg:$0x0] =	wrdreg $0xFFFFFFFF;
	(pc) =	sbr.abs _section_cstart, $3  }
0xc1: {  	[dreg:$0x1] =	wrdreg $0xFFFFFFFF  }
0xc2: {  	_ =	task.clear_ibuf [dreg:s7], $0x2FFFF;
	_ =	strace $0x9FFFFFFF  }
0xc3: {  	(tm) =	ssettm $0x7FFFFFFF  }
tec
execute0_lowered:
.L_overlay_start_1:
0x0: {  	(tag) =	ssettag $0x1  }
0x1: {  	s6 =	rddreg [dreg:$0x0]  }
0x2: {  	s12 =	rddreg [dreg:$0x1];
	s1 =	srdreg.scid  }
0x3: {  	s0 =	stileid.u32;
	s2 =	rddreg [dreg:$0x2]  }
0x4: {  	s4 =	simm.s32 $0x0;
	s18 =	simm.s32 $0x2D00;
	s19 =	simm.s32 $0x2C80  }
0x5: {  	s20 =	simm.s32 $0x6D00;
	s21 =	simm.s32 $0x1;
	s22 =	simm.s32 $0x3  }
0x6: {  	s23 =	simm.s32 $0x5;
	s24 =	simm.s32 $0x2;
	s3 =	smul.u32 $0x2C00, s0  }
0x7: {  	s25 =	simm.s32 $0x4;
	s26 =	simm.s32 $0x0;
	s13 =	smul.u32 $0x4F000, s0  }
0x8: {  	s7 =	sand.u32 $0x1, s1;
	[smem:$0x7FF] =	sst s4;
	s16 =	smul.u32 $0x13C00, s0  }
0x9: {  	s30 =	sshll.u32 s0, $0x6;
	s5 =	smul.u32 $0x27100, s7;
	_ =	strace $0x8000004A  }
0xa: {  	s11 =	ssub.s32 $0x2, s7;
	s15 =	smul.u32 $0x13C000, s7;
	s7 =	sor.u32 $0x1C06, s30  }
0xb: {  	s9 =	sshrl.u32 s3, $0x3;
	s14 =	sshrl.u32 s11, $0x1;
	s29 =	sshrl.u32 s13, $0x2  }
0xc: {  	s10 =	sadd.s32 s5, s6;
	s8 =	sadd.s32 s9, s6;
	s5 =	sadd.s32 $0x2C00, s6  }
0xd: {  	s6 =	sadd.s32 $0x5BE00, s6;
	s14 =	ssub.s32 s11, s14;
	s17 =	sadd.s32 s29, s2  }
0xe: {  	s31 =	sadd.s32 s16, s15;
	s15 =	simm.s32 $0x6;
	s16 =	simm.s32 $0x2C00  }
0xf: {  	s8 =	sadd.s32 $0x8400, s8;
	s9 =	sadd.s32 s5, s9;
	s13 =	sshrl.u32 s31, $0x3  }
0x10: {  	s10 =	sadd.s32 $0xDC00, s10;
	s11 =	sadd.s32 $0x10, s9;
	s12 =	sadd.s32 s12, s13  }
0x11: {  	s13 =	smax.u32 s14, $0x1;
	s14 =	sshrl.u32 s17, $0x3;
	s17 =	simm.s32 $0x80  }
.LBB2_1:
0x12: {  	[spmem:s14], [sflag:s7] =	dma.local [hbm:s6], $0x2780  }
0x13: {  	_ =	swait.ge [sflag:s15], $0x2780  }
0x14: {  	[sflag:s15] =	ssyncset.done $0x0  }
0x15: {  	[sflag:s15] =	ssyncadd.s32 $0xFFFFD880  }
0x16: {  	[tilespmem:s4], [sflag:$0x6] =	stream.linear.gather [hbm4b:s8+s4], $0x2900, $0x38;
	[tilespmem:$0x1E900] =	vst v63  }
0x17: {  	_ =	swait.ge [sflag:s15], $0x2900  }
0x18: {  	[sflag:s15] =	ssyncset.done $0x0  }
0x19: {  	[sflag:s15] =	ssyncadd.s32 $0xFFFFD700  }
0x1a: {  	[bflag:$0x0] =	sbarrier.arrive $0xFFFF  }
0x1b: {  	[tilespmem:s16], [sflag:$0x3] =	stream.linear.gather [hbm4b:s9+s4], $0x80, $0x38;
	[tilespmem:$0x1E900] =	vst v63  }
0x1c: {  	_ = 	snop  }
0x1d: {  	[tilespmem:s18], [sflag:$0x1] =	stream.indirect.gather [hbm4b:s10+s17], $0x80, s4, s17, $0xb8;
	[tilespmem:$0x1E900] =	vst v63  }
0x1e: {  	_ = 	snop  }
0x1f: {  	[tilespmem:s19], [sflag:$0x4] =	stream.linear.gather [hbm4b:s11+s4], $0x80, $0x38;
	[tilespmem:$0x1E900] =	vst v63  }
0x20: {  	_ = 	snop  }
0x21: {  	[tilespmem:s20], [sflag:$0x2] =	stream.indirect.gather [hbm4b:s10+s17], $0x80, s17, s17, $0xb8;
	[tilespmem:$0x1E900] =	vst v63  }
0x22: {  	_ =	swait.ge [sflag:s21], $0x4000  }
0x23: {  	[sflag:s21] =	ssyncset.done $0x0  }
0x24: {  	[sflag:s21] =	ssyncadd.s32 $0xFFFFC000  }
0x25: {  	s28 =	simm.s32 $0x100;
	_ =	swait.ge [sflag:s22], $0x80  }
0x26: {  	s29 =	sand.u32 $0x7C00, s28;
	[sflag:s22] =	ssyncset.done $0x0  }
0x27: {  	s28 =	sand.u32 $0x300, s28;
	s29 =	sadd.s32 s3, s29;
	[sflag:s22] =	ssyncadd.s32 $0xFFFFFF80  }
0x28: {  	[spmem:s2] =	stream.indirect.scatter.add.f32 [tilespmem:s18], [sflag:$0x5], $0x80, s16, s17, $0xb8;
	[tilespmem:$0x1E900] =	vst v63  }
0x29: {  	s28 =	sor.u32 s28, s29;
	_ =	swait.ge [sflag:s23], $0x4000  }
0x2a: {  	s28 =	sshrl.u32 s28, $0x3;
	[sflag:s23] =	ssyncset.done $0x0  }
0x2b: {  	s28 =	sadd.s32 s5, s28;
	[sflag:s23] =	ssyncadd.s32 $0xFFFFC000  }
0x2c: {  	[tilespmem:s16], [sflag:$0x3] =	stream.linear.gather [hbm4b:s28+s4], $0x80, $0x38;
	[tilespmem:$0x1E900] =	vst v63  }
0x2d: {  	s28 =	simm.s32 $0x100  }
0x2e: {  	[tilespmem:s18], [sflag:$0x1] =	stream.indirect.gather [hbm4b:s10+s17], $0x80, s28, s17, $0xb8;
	[tilespmem:$0x1E900] =	vst v63  }
0x2f: {  	_ =	swait.ge [sflag:s24], $0x4000  }
0x30: {  	[sflag:s24] =	ssyncset.done $0x0  }
0x31: {  	[sflag:s24] =	ssyncadd.s32 $0xFFFFC000  }
0x32: {  	s28 =	simm.s32 $0x180;
	_ =	swait.ge [sflag:s25], $0x80  }
0x33: {  	s29 =	sand.u32 $0x7C00, s28;
	[sflag:s25] =	ssyncset.done $0x0  }
0x34: {  	s28 =	sand.u32 $0x380, s28;
	s29 =	sadd.s32 s3, s29;
	[sflag:s25] =	ssyncadd.s32 $0xFFFFFF80  }
0x35: {  	[spmem:s2] =	stream.indirect.scatter.add.f32 [tilespmem:s20], [sflag:$0x5], $0x80, s19, s17, $0xb8;
	[tilespmem:$0x1E900] =	vst v63  }
0x36: {  	s28 =	sor.u32 s28, s29;
	_ =	swait.ge [sflag:s23], $0x4000  }
0x37: {  	s28 =	sshrl.u32 s28, $0x3;
	[sflag:s23] =	ssyncset.done $0x0  }
0x38: {  	s28 =	sadd.s32 s5, s28;
	[sflag:s23] =	ssyncadd.s32 $0xFFFFC000  }
0x39: {  	[tilespmem:s19], [sflag:$0x4] =	stream.linear.gather [hbm4b:s28+s4], $0x80, $0x38;
	[tilespmem:$0x1E900] =	vst v63  }
0x3a: {  	s30 =	simm.s32 $0x200;
	s29 =	simm.s32 $0x180;
	s28 =	simm.s32 $0x280  }
.LBB2_2:
0x3b: {  	s31 =	sadd.s32 $0x80, s30  }
0x3c: {  	p0 =	sne.s32 s28, $0x2880;
	s1 =	smov.u32 s28;
	s28 =	sadd.s32 $0x100, s28  }
0x3d: {  	[tilespmem:s20], [sflag:$0x2] =	stream.indirect.gather [hbm4b:s10+s17], $0x80, s29, s17, $0xb8;
	[tilespmem:$0x1E900] =	vst v63  }
0x3e: {  	s29 =	smov.u32 s31;
	_ =	swait.ge [sflag:s21], $0x4000  }
0x3f: {  	[sflag:s21] =	ssyncset.done $0x0  }
0x40: {  	[sflag:s21] =	ssyncadd.s32 $0xFFFFC000  }
0x41: {  	_ =	swait.ge [sflag:s22], $0x80  }
0x42: {  	s31 =	sadd.s32 $0xFFFFFF80, s1;
	[sflag:s22] =	ssyncset.done $0x0  }
0x43: {  	s0 =	sand.u32 $0x7C00, s31;
	s31 =	sand.u32 $0x300, s31;
	[sflag:s22] =	ssyncadd.s32 $0xFFFFFF80  }
0x44: {  	[spmem:s2] =	stream.indirect.scatter.add.f32 [tilespmem:s18], [sflag:$0x5], $0x80, s16, s17, $0xb8;
	[tilespmem:$0x1E900] =	vst v63  }
0x45: {  	s0 =	sadd.s32 s3, s0;
	_ =	swait.ge [sflag:s23], $0x4000  }
0x46: {  	s0 =	sor.u32 s31, s0;
	[sflag:s23] =	ssyncset.done $0x0  }
0x47: {  	s0 =	sshrl.u32 s0, $0x3;
	[sflag:s23] =	ssyncadd.s32 $0xFFFFC000  }
0x48: {  	s0 =	sadd.s32 s5, s0  }
0x49: {  	[tilespmem:s16], [sflag:$0x3] =	stream.linear.gather [hbm4b:s0+s4], $0x80, $0x38;
	[tilespmem:$0x1E900] =	vst v63  }
0x4a: {  	_ = 	snop  }
0x4b: {  	[tilespmem:s18], [sflag:$0x1] =	stream.indirect.gather [hbm4b:s10+s17], $0x80, s30, s17, $0xb8;
	[tilespmem:$0x1E900] =	vst v63  }
0x4c: {  	_ =	swait.ge [sflag:s24], $0x4000  }
0x4d: {  	[sflag:s24] =	ssyncset.done $0x0  }
0x4e: {  	[sflag:s24] =	ssyncadd.s32 $0xFFFFC000  }
0x4f: {  	_ =	swait.ge [sflag:s25], $0x80  }
0x50: {  	s0 =	sand.u32 $0x7C00, s1;
	[sflag:s25] =	ssyncset.done $0x0  }
0x51: {  	s1 =	sand.u32 $0x380, s1;
	s0 =	sadd.s32 s3, s0;
	[sflag:s25] =	ssyncadd.s32 $0xFFFFFF80  }
0x52: {  	[spmem:s2] =	stream.indirect.scatter.add.f32 [tilespmem:s20], [sflag:$0x5], $0x80, s19, s17, $0xb8;
	[tilespmem:$0x1E900] =	vst v63  }
.Ltmp0:
0x53: {  	_ = 	snop;
	(pc) =	sbr.rel @p0 .LBB2_2-.Ltmp0, $4  }
0x54: {  	s0 =	sor.u32 s1, s0;
	_ =	swait.ge [sflag:s23], $0x4000  }
0x55: {  	s0 =	sshrl.u32 s0, $0x3;
	[sflag:s23] =	ssyncset.done $0x0  }
0x56: {  	s30 =	sadd.s32 $0x100, s30;
	s0 =	sadd.s32 s5, s0;
	[sflag:s23] =	ssyncadd.s32 $0xFFFFC000  }
0x57: {  	[tilespmem:s19], [sflag:$0x4] =	stream.linear.gather [hbm4b:s0+s4], $0x80, $0x38;
	[tilespmem:$0x1E900] =	vst v63  }
0x58: {  	[tilespmem:s20], [sflag:$0x2] =	stream.indirect.gather [hbm4b:s10+s17], $0x80, s29, s17, $0xb8;
	[tilespmem:$0x1E900] =	vst v63  }
0x59: {  	_ =	swait.ge [sflag:s21], $0x4000  }
0x5a: {  	[sflag:s21] =	ssyncset.done $0x0  }
0x5b: {  	[sflag:s21] =	ssyncadd.s32 $0xFFFFC000  }
0x5c: {  	_ =	swait.ge [sflag:s22], $0x80  }
0x5d: {  	[sflag:s22] =	ssyncset.done $0x0  }
0x5e: {  	[sflag:s22] =	ssyncadd.s32 $0xFFFFFF80  }
0x5f: {  	_ =	swait.ge [sflag:s24], $0x4000  }
0x60: {  	[sflag:s24] =	ssyncset.done $0x0  }
0x61: {  	[sflag:s24] =	ssyncadd.s32 $0xFFFFC000  }
0x62: {  	_ =	swait.ge [sflag:s25], $0x80  }
0x63: {  	s26 =	sadd.s32 $0x1, s26;
	[sflag:s25] =	ssyncset.done $0x0  }
0x64: {  	p0 =	sne.s32 s26, s13;
	[sflag:s25] =	ssyncadd.s32 $0xFFFFFF80  }
.Ltmp1:
0x65: {  	[bflag:$0x0] =	sbarrier.arrive $0xFFFF;
	(pc) =	sbr.rel @p0 .LBB2_1-.Ltmp1, $4  }
0x66: {  	[hbm:s12], [sflag:s7] =	dma.local [spmem:s14], $0x2780  }
0x67: {  	_ =	swait.ge [sflag:s15], $0x2780  }
0x68: {  	[sflag:s15] =	ssyncset.done $0x0  }
0x69: {  	[sflag:s15] =	ssyncadd.s32 $0xFFFFD880  }
0x6a: {  	_ =	sfence.sel $0x180000  }
0x6b: {  	[bflag:$0x0] =	sbarrier.arrive $0xFFFF  }
0x6c: {  	_ =	strace $0x9000004A  }
0x6d: {  	s0 =	stileid.u32;
	[bflag:$0x2] =	sbarrier.arrive $0xFFFF  }
0x6e: {  	p0 =	sne.s32 s0, $0x0;
	s0 =	rddreg [dreg:$0x3]  }
0x6f: {  	s0 =	sadd.s32 @!p0 $0x100000, s0  }
0x70: {  	[sflag:s0] =	ssyncadd.tile.s32 @!p0 $0x1;
	_ =	shalt  }
.Lfunc_end2:
_tile_overlayer_lowered:
.L_overlay_start_2:
0x71: {  	(tag) =	ssettag $0x2  }
0x72: {  	s0 =	rddreg [dreg:$0x0];
	s2 =	stileid.u32  }
0x73: {  	s1 =	rddreg [dreg:$0x1];
	p0 =	sne.s32 s2, $0x0  }
0x74: {  	s3 =	rddreg [dreg:$0x2];
	[bflag:$0x3] =	sbarrier.arrive $0xFFFF;
	s2 =	simm.s32 @!p0 $0x1C06  }
0x75: {  	[timem:s3], [sflag:s2] =	dma.local @!p0 [hbm:s0], s1  }
0x76: {  	s0 =	simm.s32 @!p0 $0x6  }
0x77: {  	_ =	swait.ge @!p0 [sflag:s0], s1  }
0x78: {  	s1 =	ssub.s32 @!p0 $0x0, s1;
	[sflag:s0] =	ssyncset.done @!p0 $0x0  }
0x79: {  	[sflag:s0] =	ssyncadd.s32 @!p0 s1  }
0x7a: {  	[bflag:$0x3] =	sbarrier.arrive $0xFFFF  }
0x7b: {  	_ =	shalt  }

// kernel: kernel.15.cloned.1.call-start
scs
__scs_entry_jumppad:
0x0: {  	(pc) =	sbr.rel $0x88, $3  }
0x1: {  	(tag) =	ssettag $0x0;
	lr =	simm.s32 $0x1  }
0x2: {  	[smem:$0x3F99] =	sst lr;
	_ =	strace $0xD0000000  }
0x3: {  	_ = 	snop  }
0x4: {  	_ = 	snop  }
0x5: {  	_ = 	snop  }
0x6: {  	_ = 	snop  }
0x7: {  	_ = 	snop  }
__scs_overlays_trampoline_lowered:
0x8: {  	[smem:$0x3FA8] =	sst s0  }
0x9: {  	[smem:$0x3FA9] =	sst s1  }
0xa: {  	[smem:$0x3FAA] =	sst s2  }
0xb: {  	[smem:$0x3FAB] =	sst s3  }
0xc: {  	[smem:$0x3FAC] =	sst s4  }
0xd: {  	[smem:$0x3FAD] =	sst s5  }
0xe: {  	[smem:$0x3FAE] =	sst s6  }
0xf: {  	[smem:$0x3FAF] =	sst s7  }
0x10: {  	[smem:$0x3FB0] =	sst s8  }
0x11: {  	[smem:$0x3FB1] =	sst s9;
	s0 =	simm.s32 @!p0 $0x0  }
0x12: {  	s1 =	sld [smem:$0x3F97];
	s0 =	simm.s32 @p0 $0x1  }
0x13: {  	[smem:$0x3FB2] =	sst s0;
	s0 =	simm.s32 @!p1 $0x0  }
0x14: {  	s2 =	sld [smem:$0x3F96];
	s0 =	simm.s32 @p1 $0x1  }
0x15: {  	[smem:$0x3FB3] =	sst s0;
	s0 =	simm.s32 @!p2 $0x0  }
0x16: {  	s3 =	sld [smem:$0x3FDB];
	s0 =	simm.s32 @p2 $0x1  }
0x17: {  	s4 =	simm.s32 $0x1BF5;
	[smem:$0x3FB5] =	sst s0  }
0x18: {  	s0 =	sld [smem:$0x3F98];
	_ =	swait.ge [sflag:s4], $0x0  }
0x19: {  	s7 =	sld [smem:$0x3F99]  }
0x1a: {  	s8 =	sadd.s32 $0xFFFFE003, lr  }
0x1b: {  	s9 =	sadd.s32 $0xFFFFFEF7, lr;
	s5 =	simm.s32 $0xFFFFFFFF;
	p2 =	slt.u32 s8, $0xFFFFF086  }
0x1c: {  	p1 =	slt.u32 s9, $0xF7A;
	s5 =	simm.s32 @!p2 $0x0  }
0x1d: {  	s5 =	simm.s32 @p1 $0x1;
	p0 =	seq.s32 s7, s2  }
0x1e: {  	s7 =	smul.u32 @!p0 $0xF7A, s2;
	p2 =	seq.s32 @!p0 s5, $0x0  }
0x1f: {  	s9 =	smul.u32 $0xF7A, s1;
	s8 =	simm.s32 @!p0 $0x1BF5;
	p2 =	por !p2, p0  }
0x20: {  	[sflag:s8] =	ssyncset.s32 @!p0 $0xFFFFF086;
	s6 =	sadd.s32 @!p0 s3, s7;
	s7 =	simm.s32 @!p0 $0x108  }
0x21: {  	s3 =	sadd.s32 s3, s9;
	s6 =	sadd.s32 @!p0 $0x88, s6;
	s7 =	simm.s32 @p2 $0x1082  }
0x22: {  	[simem:s7], [sflag:s8] =	dma.local @!p0 [hbm:s6], $0xF7A  }
0x23: {  	s9 =	sor.u32 $0xD0000000, s2;
	s6 =	simm.s32 $0x108;
	_ =	swait.ge @!p0 [sflag:s8], $0x0  }
0x24: {  	s3 =	sadd.s32 $0x88, s3;
	s6 =	simm.s32 @!p1 $0x1082;
	[sflag:s4] =	ssyncset.s32 $0xFFFFF086  }
0x25: {  	[simem:s6], [sflag:s4] =	dma.local [hbm:s3], $0xF7A  }
0x26: {  	[smem:$0x3F99] =	sst s1;
	(tag) =	ssettag s2;
	_ =	strace s9  }
0x27: {  	s1 =	sld [smem:$0x3FA9]  }
0x28: {  	s2 =	sld [smem:$0x3FAA]  }
0x29: {  	s4 =	sld [smem:$0x3FAC]  }
0x2a: {  	p0 =	seq.s32 s5, $0x0;
	s5 =	sld [smem:$0x3FAD]  }
0x2b: {  	s6 =	sld [smem:$0x3FAE]  }
0x2c: {  	s7 =	sld [smem:$0x3FAF]  }
0x2d: {  	s3 =	simm.s32 $0x108;
	s8 =	sld [smem:$0x3FB0]  }
0x2e: {  	s3 =	simm.s32 @!p0 $0x1082;
	s9 =	sld [smem:$0x3FB1]  }
0x2f: {  	lr =	sadd.s32 s0, s3;
	s0 =	sld [smem:$0x3FA8]  }
0x30: {  	s3 =	sld [smem:$0x3FAB]  }
0x31: {  	[smem:$0x3FB4] =	sst s10  }
0x32: {  	s10 =	sld [smem:$0x3FB2];
	_ =	sdelay $0x3  }
0x33: {  	p0 =	seq.s32 s10, $0x1;
	s10 =	sld [smem:$0x3FB4];
	_ =	sdelay $0x3  }
0x34: {  	[smem:$0x3FB4] =	sst s10  }
0x35: {  	s10 =	sld [smem:$0x3FB3];
	_ =	sdelay $0x3  }
0x36: {  	p1 =	seq.s32 s10, $0x1;
	s10 =	sld [smem:$0x3FB4];
	_ =	sdelay $0x3  }
0x37: {  	[smem:$0x3FB4] =	sst s10  }
0x38: {  	s10 =	sld [smem:$0x3FB5]  }
0x39: {  	_ = 	snop;
	(pc) =	sbr.ind lr, $3  }
0x3a: {  	_ = 	snop  }
0x3b: {  	_ = 	snop  }
0x3c: {  	p2 =	seq.s32 s10, $0x1;
	s10 =	sld [smem:$0x3FB4]  }
0x3d: {  	_ =	shalt  }
0x3e: {  	_ =	shalt  }
0x3f: {  	_ =	shalt  }
0x40: {  	_ =	shalt  }
0x41: {  	_ =	shalt  }
0x42: {  	_ =	shalt  }
0x43: {  	_ =	shalt  }
0x44: {  	_ =	shalt  }
0x45: {  	_ =	shalt  }
0x46: {  	_ =	shalt  }
0x47: {  	_ =	shalt  }
0x48: {  	_ =	shalt  }
0x49: {  	_ =	shalt  }
0x4a: {  	_ =	shalt  }
0x4b: {  	_ =	shalt  }
0x4c: {  	_ =	shalt  }
0x4d: {  	_ =	shalt  }
0x4e: {  	_ =	shalt  }
0x4f: {  	_ =	shalt  }
0x50: {  	_ =	shalt  }
0x51: {  	_ =	shalt  }
0x52: {  	_ =	shalt  }
0x53: {  	_ =	shalt  }
0x54: {  	_ =	shalt  }
0x55: {  	_ =	shalt  }
0x56: {  	_ =	shalt  }
0x57: {  	_ =	shalt  }
0x58: {  	_ =	shalt  }
0x59: {  	_ =	shalt  }
0x5a: {  	_ =	shalt  }
0x5b: {  	_ =	shalt  }
0x5c: {  	_ =	shalt  }
0x5d: {  	_ =	shalt  }
0x5e: {  	_ =	shalt  }
0x5f: {  	_ =	shalt  }
0x60: {  	_ =	shalt  }
0x61: {  	_ =	shalt  }
0x62: {  	_ =	shalt  }
0x63: {  	_ =	shalt  }
0x64: {  	_ =	shalt  }
0x65: {  	_ =	shalt  }
0x66: {  	_ =	shalt  }
0x67: {  	_ =	shalt  }
0x68: {  	_ =	shalt  }
0x69: {  	_ =	shalt  }
0x6a: {  	_ =	shalt  }
0x6b: {  	_ =	shalt  }
0x6c: {  	_ =	shalt  }
0x6d: {  	_ =	shalt  }
0x6e: {  	_ =	shalt  }
0x6f: {  	_ =	shalt  }
0x70: {  	_ =	shalt  }
0x71: {  	_ =	shalt  }
0x72: {  	_ =	shalt  }
0x73: {  	_ =	shalt  }
0x74: {  	_ =	shalt  }
0x75: {  	_ =	shalt  }
0x76: {  	_ =	shalt  }
0x77: {  	_ =	shalt  }
0x78: {  	_ =	shalt  }
0x79: {  	_ =	shalt  }
0x7a: {  	_ =	shalt  }
0x7b: {  	_ =	shalt  }
0x7c: {  	_ =	shalt  }
0x7d: {  	_ =	shalt  }
0x7e: {  	_ =	shalt  }
0x7f: {  	_ =	shalt  }
0x80: {  	_ =	shalt  }
0x81: {  	_ =	shalt  }
0x82: {  	_ =	shalt  }
0x83: {  	_ =	shalt  }
0x84: {  	_ =	shalt  }
0x85: {  	_ =	shalt  }
0x86: {  	_ =	shalt  }
0x87: {  	_ =	shalt  }
.Lfunc_end0:
.L_simem_size_0:
called_computation.2_lowered:
.L_overlay_start_0:
0x88: {  	s2 =	sld [smem:$0x3FD9]  }
0x89: {  	s3 =	sld [smem:$0x3FFE];
	_ =	sdelay $0x1  }
0x8a: {  	s1 =	srdreg.scid  }
0x8b: {  	s0 =	sand.u32 $0x1, s1  }
0x8c: {  	s17 =	sshll.u32 s0, $0xA;
	s2 =	sadd.s32 s3, s2  }
0x8d: {  	s2 =	sadd.s32 s2, s17  }
0x8e: {  	[smem:$0x3FC0] =	sst s2  }
0x8f: {  	_ = 	snop  }
0x90: {  	s2 =	sld [smem:$0x3FD0];
	(tm) =	ssettm $0x1  }
0x91: {  	s18 =	sld [smem:$0x3FFB];
	_ =	sdelay $0x3  }
0x92: {  	_ =	strace s18  }
0x93: {  	s3 =	sld [smem:$0x3FFC];
	_ =	sdelay $0x3  }
0x94: {  	_ =	strace s3  }
0x95: {  	s3 =	sld [smem:$0x3FFD];
	_ =	sdelay $0x3  }
0x96: {  	_ =	strace s3  }
0x97: {  	_ =	strace $0x8FFFFFFF  }
0x98: {  	s19 =	sld [smem:$0x3FDB];
	_ =	sdelay $0x1  }
0x99: {  	s4 =	simm.s32 $_scs_section_size  }
0x9a: {  	s5 =	simm.s32 $_size__tile_overlayer_lowered;
	s6 =	simm.s32 $_tile_overlayer_lowered  }
0x9b: {  	s22 =	simm.s32 $0x1BFF;
	s21 =	sshll.u32 s6, $0x1;
	s3 =	sadd.s32 s4, s19  }
0x9c: {  	s7 =	simm.s32 $0x0;
	s20 =	sshll.u32 s5, $0x1;
	s5 =	sadd.s32 s21, s3  }
0x9d: {  	[timem:s7], [sflag:s22] =	dma.local [hbm:s5], s20  }
0x9e: {  	_ =	swait.ge [sflag:s22], s20  }
0x9f: {  	s4 =	ssub.s32 $0x0, s20;
	[sflag:s22] =	ssyncset.done $0x0  }
0xa0: {  	[sflag:s22] =	ssyncadd.s32 s4;
	_ =	sdelay $0x1  }
0xa1: {  	s23 =	simm.s32 $0x1B8B  }
0xa2: {  	_ =	swait.ge [sflag:s23], $0x1  }
0xa3: {  	[sflag:s23] =	ssyncset.done $0x0  }
0xa4: {  	s25 =	simm.s32 $0x1B8E;
	s24 =	sld [smem:$0x3FFE];
	[sflag:s23] =	ssyncadd.s32 $0xFFFFFFFF  }
0xa5: {  	s26 =	simm.s32 $execute0_lowered;
	[smem:$0x3FD2] =	sst s25  }
0xa6: {  	s5 =	sshll.u32 s26, $0x1;
	_ =	strace $0x8000004C;
	[dreg:$0x1] =	wrdreg $0xFFFFFFFF  }
0xa7: {  	s28 =	simm.s32 $_size_execute0_lowered;
	s3 =	sadd.s32 s3, s5;
	[dreg:$0x0] =	wrdreg $0x0  }
0xa8: {  	s5 =	sshll.u32 s28, $0x1;
	[dreg:$0x2] =	wrdreg s3  }
0xa9: {  	[dreg:$0x3] =	wrdreg s5  }
0xaa: {  	[dreg:$0x4] =	wrdreg $0xC0  }
0xab: {  	_ =	task [dreg:s7], $0x5FFFF  }
0xac: {  	[dreg:$0x1] =	wrdreg $0xFFFFFFFF  }
0xad: {  	[dreg:$0x0] =	wrdreg $0x60  }
0xae: {  	[dreg:$0x2] =	wrdreg s24  }
0xaf: {  	[dreg:$0x3] =	wrdreg s2  }
0xb0: {  	[dreg:$0x4] =	wrdreg $0xAD000  }
0xb1: {  	[dreg:$0x5] =	wrdreg $0x9  }
0xb2: {  	_ =	task.clear_ibuf [dreg:s7], $0x6FFFF;
	_ =	strace $0x9000004C  }
0xb3: {  	s29 =	simm.s32 $0x9;
	_ =	strace $0x8000004E  }
0xb4: {  	_ =	swait.ge [sflag:s29], $0x1  }
0xb5: {  	[sflag:s29] =	ssyncadd.s32 $0xFFFFFFFF  }
0xb6: {  	_ =	strace $0x9000004E  }
0xb7: {  	_ =	sfence  }
0xb8: {  	s30 =	sld [smem:$0x0];
	_ =	sdelay $0x2  }
0xb9: {  	s31 =	sshll.u32 s1, $0xD;
	s1 =	sshrl.u32 s1, $0x2  }
0xba: {  	s3 =	sand.u32 $0x4000, s31;
	s1 =	sadd.s32 s1, s30  }
0xbb: {  	s0 =	sor.u32 s3, s0;
	s1 =	sshll.u32 s1, $0x11  }
0xbc: {  	s0 =	sor.u32 s1, s0  }
0xbd: {  	s0 =	sadd.s32 $0x8F2B, s0  }
0xbe: {  	[sflag:s0] =	ssyncadd.remote.s32 $0x1  }
0xbf: {  	_ =	sfence.sel $0xFFFF  }
0xc0: {  	[dreg:$0x0] =	wrdreg $0xFFFFFFFF;
	(pc) =	sbr.abs _section_cstart, $3  }
0xc1: {  	[dreg:$0x1] =	wrdreg $0xFFFFFFFF  }
0xc2: {  	_ =	task.clear_ibuf [dreg:s7], $0x2FFFF;
	_ =	strace $0x9FFFFFFF  }
0xc3: {  	(tm) =	ssettm $0x7FFFFFFF  }
tec
execute0_lowered:
.L_overlay_start_1:
0x0: {  	(tag) =	ssettag $0x1  }
0x1: {  	s6 =	rddreg [dreg:$0x0]  }
0x2: {  	s12 =	rddreg [dreg:$0x1];
	s1 =	srdreg.scid  }
0x3: {  	s0 =	stileid.u32;
	s2 =	rddreg [dreg:$0x2]  }
0x4: {  	s4 =	simm.s32 $0x0;
	s18 =	simm.s32 $0x2D00;
	s19 =	simm.s32 $0x2C80  }
0x5: {  	s20 =	simm.s32 $0x6D00;
	s21 =	simm.s32 $0x1;
	s22 =	simm.s32 $0x3  }
0x6: {  	s23 =	simm.s32 $0x5;
	s24 =	simm.s32 $0x2;
	s3 =	smul.u32 $0x2C00, s0  }
0x7: {  	s25 =	simm.s32 $0x4;
	s26 =	simm.s32 $0x0;
	s13 =	smul.u32 $0x4F000, s0  }
0x8: {  	s7 =	sand.u32 $0x1, s1;
	[smem:$0x7FF] =	sst s4;
	s16 =	smul.u32 $0x13C00, s0  }
0x9: {  	s30 =	sshll.u32 s0, $0x6;
	s5 =	smul.u32 $0x27100, s7;
	_ =	strace $0x8000004D  }
0xa: {  	s11 =	ssub.s32 $0x2, s7;
	s15 =	smul.u32 $0x13C000, s7;
	s7 =	sor.u32 $0x1C06, s30  }
0xb: {  	s9 =	sshrl.u32 s3, $0x3;
	s14 =	sshrl.u32 s11, $0x1;
	s29 =	sshrl.u32 s13, $0x2  }
0xc: {  	s10 =	sadd.s32 s5, s6;
	s8 =	sadd.s32 s9, s6;
	s5 =	sadd.s32 $0x2C00, s6  }
0xd: {  	s6 =	sadd.s32 $0x5BE00, s6;
	s14 =	ssub.s32 s11, s14;
	s17 =	sadd.s32 s29, s2  }
0xe: {  	s31 =	sadd.s32 s16, s15;
	s15 =	simm.s32 $0x6;
	s16 =	simm.s32 $0x2C00  }
0xf: {  	s8 =	sadd.s32 $0x8400, s8;
	s9 =	sadd.s32 s5, s9;
	s13 =	sshrl.u32 s31, $0x3  }
0x10: {  	s10 =	sadd.s32 $0xDC00, s10;
	s11 =	sadd.s32 $0x10, s9;
	s12 =	sadd.s32 s12, s13  }
0x11: {  	s13 =	smax.u32 s14, $0x1;
	s14 =	sshrl.u32 s17, $0x3;
	s17 =	simm.s32 $0x80  }
.LBB2_1:
0x12: {  	[spmem:s14], [sflag:s7] =	dma.local [hbm:s6], $0x2780  }
0x13: {  	_ =	swait.ge [sflag:s15], $0x2780  }
0x14: {  	[sflag:s15] =	ssyncset.done $0x0  }
0x15: {  	[sflag:s15] =	ssyncadd.s32 $0xFFFFD880  }
0x16: {  	[tilespmem:s4], [sflag:$0x6] =	stream.linear.gather [hbm4b:s8+s4], $0x2900, $0x38;
	[tilespmem:$0x1E900] =	vst v63  }
0x17: {  	_ =	swait.ge [sflag:s15], $0x2900  }
0x18: {  	[sflag:s15] =	ssyncset.done $0x0  }
0x19: {  	[sflag:s15] =	ssyncadd.s32 $0xFFFFD700  }
0x1a: {  	[bflag:$0x0] =	sbarrier.arrive $0xFFFF  }
0x1b: {  	[tilespmem:s16], [sflag:$0x3] =	stream.linear.gather [hbm4b:s9+s4], $0x80, $0x38;
	[tilespmem:$0x1E900] =	vst v63  }
0x1c: {  	_ = 	snop  }
0x1d: {  	[tilespmem:s18], [sflag:$0x1] =	stream.indirect.gather [hbm4b:s10+s17], $0x80, s4, s17, $0xb8;
	[tilespmem:$0x1E900] =	vst v63  }
0x1e: {  	_ = 	snop  }
0x1f: {  	[tilespmem:s19], [sflag:$0x4] =	stream.linear.gather [hbm4b:s11+s4], $0x80, $0x38;
	[tilespmem:$0x1E900] =	vst v63  }
0x20: {  	_ = 	snop  }
0x21: {  	[tilespmem:s20], [sflag:$0x2] =	stream.indirect.gather [hbm4b:s10+s17], $0x80, s17, s17, $0xb8;
	[tilespmem:$0x1E900] =	vst v63  }
0x22: {  	_ =	swait.ge [sflag:s21], $0x4000  }
0x23: {  	[sflag:s21] =	ssyncset.done $0x0  }
0x24: {  	[sflag:s21] =	ssyncadd.s32 $0xFFFFC000  }
0x25: {  	s28 =	simm.s32 $0x100;
	_ =	swait.ge [sflag:s22], $0x80  }
0x26: {  	s29 =	sand.u32 $0x7C00, s28;
	[sflag:s22] =	ssyncset.done $0x0  }
0x27: {  	s28 =	sand.u32 $0x300, s28;
	s29 =	sadd.s32 s3, s29;
	[sflag:s22] =	ssyncadd.s32 $0xFFFFFF80  }
0x28: {  	[spmem:s2] =	stream.indirect.scatter.add.f32 [tilespmem:s18], [sflag:$0x5], $0x80, s16, s17, $0xb8;
	[tilespmem:$0x1E900] =	vst v63  }
0x29: {  	s28 =	sor.u32 s28, s29;
	_ =	swait.ge [sflag:s23], $0x4000  }
0x2a: {  	s28 =	sshrl.u32 s28, $0x3;
	[sflag:s23] =	ssyncset.done $0x0  }
0x2b: {  	s28 =	sadd.s32 s5, s28;
	[sflag:s23] =	ssyncadd.s32 $0xFFFFC000  }
0x2c: {  	[tilespmem:s16], [sflag:$0x3] =	stream.linear.gather [hbm4b:s28+s4], $0x80, $0x38;
	[tilespmem:$0x1E900] =	vst v63  }
0x2d: {  	s28 =	simm.s32 $0x100  }
0x2e: {  	[tilespmem:s18], [sflag:$0x1] =	stream.indirect.gather [hbm4b:s10+s17], $0x80, s28, s17, $0xb8;
	[tilespmem:$0x1E900] =	vst v63  }
0x2f: {  	_ =	swait.ge [sflag:s24], $0x4000  }
0x30: {  	[sflag:s24] =	ssyncset.done $0x0  }
0x31: {  	[sflag:s24] =	ssyncadd.s32 $0xFFFFC000  }
0x32: {  	s28 =	simm.s32 $0x180;
	_ =	swait.ge [sflag:s25], $0x80  }
0x33: {  	s29 =	sand.u32 $0x7C00, s28;
	[sflag:s25] =	ssyncset.done $0x0  }
0x34: {  	s28 =	sand.u32 $0x380, s28;
	s29 =	sadd.s32 s3, s29;
	[sflag:s25] =	ssyncadd.s32 $0xFFFFFF80  }
0x35: {  	[spmem:s2] =	stream.indirect.scatter.add.f32 [tilespmem:s20], [sflag:$0x5], $0x80, s19, s17, $0xb8;
	[tilespmem:$0x1E900] =	vst v63  }
0x36: {  	s28 =	sor.u32 s28, s29;
	_ =	swait.ge [sflag:s23], $0x4000  }
0x37: {  	s28 =	sshrl.u32 s28, $0x3;
	[sflag:s23] =	ssyncset.done $0x0  }
0x38: {  	s28 =	sadd.s32 s5, s28;
	[sflag:s23] =	ssyncadd.s32 $0xFFFFC000  }
0x39: {  	[tilespmem:s19], [sflag:$0x4] =	stream.linear.gather [hbm4b:s28+s4], $0x80, $0x38;
	[tilespmem:$0x1E900] =	vst v63  }
0x3a: {  	s30 =	simm.s32 $0x200;
	s29 =	simm.s32 $0x180;
	s28 =	simm.s32 $0x280  }
.LBB2_2:
0x3b: {  	s31 =	sadd.s32 $0x80, s30  }
0x3c: {  	p0 =	sne.s32 s28, $0x2880;
	s1 =	smov.u32 s28;
	s28 =	sadd.s32 $0x100, s28  }
0x3d: {  	[tilespmem:s20], [sflag:$0x2] =	stream.indirect.gather [hbm4b:s10+s17], $0x80, s29, s17, $0xb8;
	[tilespmem:$0x1E900] =	vst v63  }
0x3e: {  	s29 =	smov.u32 s31;
	_ =	swait.ge [sflag:s21], $0x4000  }
0x3f: {  	[sflag:s21] =	ssyncset.done $0x0  }
0x40: {  	[sflag:s21] =	ssyncadd.s32 $0xFFFFC000  }
0x41: {  	_ =	swait.ge [sflag:s22], $0x80  }
0x42: {  	s31 =	sadd.s32 $0xFFFFFF80, s1;
	[sflag:s22] =	ssyncset.done $0x0  }
0x43: {  	s0 =	sand.u32 $0x7C00, s31;
	s31 =	sand.u32 $0x300, s31;
	[sflag:s22] =	ssyncadd.s32 $0xFFFFFF80  }
0x44: {  	[spmem:s2] =	stream.indirect.scatter.add.f32 [tilespmem:s18], [sflag:$0x5], $0x80, s16, s17, $0xb8;
	[tilespmem:$0x1E900] =	vst v63  }
0x45: {  	s0 =	sadd.s32 s3, s0;
	_ =	swait.ge [sflag:s23], $0x4000  }
0x46: {  	s0 =	sor.u32 s31, s0;
	[sflag:s23] =	ssyncset.done $0x0  }
0x47: {  	s0 =	sshrl.u32 s0, $0x3;
	[sflag:s23] =	ssyncadd.s32 $0xFFFFC000  }
0x48: {  	s0 =	sadd.s32 s5, s0  }
0x49: {  	[tilespmem:s16], [sflag:$0x3] =	stream.linear.gather [hbm4b:s0+s4], $0x80, $0x38;
	[tilespmem:$0x1E900] =	vst v63  }
0x4a: {  	_ = 	snop  }
0x4b: {  	[tilespmem:s18], [sflag:$0x1] =	stream.indirect.gather [hbm4b:s10+s17], $0x80, s30, s17, $0xb8;
	[tilespmem:$0x1E900] =	vst v63  }
0x4c: {  	_ =	swait.ge [sflag:s24], $0x4000  }
0x4d: {  	[sflag:s24] =	ssyncset.done $0x0  }
0x4e: {  	[sflag:s24] =	ssyncadd.s32 $0xFFFFC000  }
0x4f: {  	_ =	swait.ge [sflag:s25], $0x80  }
0x50: {  	s0 =	sand.u32 $0x7C00, s1;
	[sflag:s25] =	ssyncset.done $0x0  }
0x51: {  	s1 =	sand.u32 $0x380, s1;
	s0 =	sadd.s32 s3, s0;
	[sflag:s25] =	ssyncadd.s32 $0xFFFFFF80  }
0x52: {  	[spmem:s2] =	stream.indirect.scatter.add.f32 [tilespmem:s20], [sflag:$0x5], $0x80, s19, s17, $0xb8;
	[tilespmem:$0x1E900] =	vst v63  }
.Ltmp0:
0x53: {  	_ = 	snop;
	(pc) =	sbr.rel @p0 .LBB2_2-.Ltmp0, $4  }
0x54: {  	s0 =	sor.u32 s1, s0;
	_ =	swait.ge [sflag:s23], $0x4000  }
0x55: {  	s0 =	sshrl.u32 s0, $0x3;
	[sflag:s23] =	ssyncset.done $0x0  }
0x56: {  	s30 =	sadd.s32 $0x100, s30;
	s0 =	sadd.s32 s5, s0;
	[sflag:s23] =	ssyncadd.s32 $0xFFFFC000  }
0x57: {  	[tilespmem:s19], [sflag:$0x4] =	stream.linear.gather [hbm4b:s0+s4], $0x80, $0x38;
	[tilespmem:$0x1E900] =	vst v63  }
0x58: {  	[tilespmem:s20], [sflag:$0x2] =	stream.indirect.gather [hbm4b:s10+s17], $0x80, s29, s17, $0xb8;
	[tilespmem:$0x1E900] =	vst v63  }
0x59: {  	_ =	swait.ge [sflag:s21], $0x4000  }
0x5a: {  	[sflag:s21] =	ssyncset.done $0x0  }
0x5b: {  	[sflag:s21] =	ssyncadd.s32 $0xFFFFC000  }
0x5c: {  	_ =	swait.ge [sflag:s22], $0x80  }
0x5d: {  	[sflag:s22] =	ssyncset.done $0x0  }
0x5e: {  	[sflag:s22] =	ssyncadd.s32 $0xFFFFFF80  }
0x5f: {  	_ =	swait.ge [sflag:s24], $0x4000  }
0x60: {  	[sflag:s24] =	ssyncset.done $0x0  }
0x61: {  	[sflag:s24] =	ssyncadd.s32 $0xFFFFC000  }
0x62: {  	_ =	swait.ge [sflag:s25], $0x80  }
0x63: {  	s26 =	sadd.s32 $0x1, s26;
	[sflag:s25] =	ssyncset.done $0x0  }
0x64: {  	p0 =	sne.s32 s26, s13;
	[sflag:s25] =	ssyncadd.s32 $0xFFFFFF80  }
.Ltmp1:
0x65: {  	[bflag:$0x0] =	sbarrier.arrive $0xFFFF;
	(pc) =	sbr.rel @p0 .LBB2_1-.Ltmp1, $4  }
0x66: {  	[hbm:s12], [sflag:s7] =	dma.local [spmem:s14], $0x2780  }
0x67: {  	_ =	swait.ge [sflag:s15], $0x2780  }
0x68: {  	[sflag:s15] =	ssyncset.done $0x0  }
0x69: {  	[sflag:s15] =	ssyncadd.s32 $0xFFFFD880  }
0x6a: {  	_ =	sfence.sel $0x180000  }
0x6b: {  	[bflag:$0x0] =	sbarrier.arrive $0xFFFF  }
0x6c: {  	_ =	strace $0x9000004D  }
0x6d: {  	s0 =	stileid.u32;
	[bflag:$0x2] =	sbarrier.arrive $0xFFFF  }
0x6e: {  	p0 =	sne.s32 s0, $0x0;
	s0 =	rddreg [dreg:$0x3]  }
0x6f: {  	s0 =	sadd.s32 @!p0 $0x100000, s0  }
0x70: {  	[sflag:s0] =	ssyncadd.tile.s32 @!p0 $0x1;
	_ =	shalt  }
.Lfunc_end2:
_tile_overlayer_lowered:
.L_overlay_start_2:
0x71: {  	(tag) =	ssettag $0x2  }
0x72: {  	s0 =	rddreg [dreg:$0x0];
	s2 =	stileid.u32  }
0x73: {  	s1 =	rddreg [dreg:$0x1];
	p0 =	sne.s32 s2, $0x0  }
0x74: {  	s3 =	rddreg [dreg:$0x2];
	[bflag:$0x3] =	sbarrier.arrive $0xFFFF;
	s2 =	simm.s32 @!p0 $0x1C06  }
0x75: {  	[timem:s3], [sflag:s2] =	dma.local @!p0 [hbm:s0], s1  }
0x76: {  	s0 =	simm.s32 @!p0 $0x6  }
0x77: {  	_ =	swait.ge @!p0 [sflag:s0], s1  }
0x78: {  	s1 =	ssub.s32 @!p0 $0x0, s1;
	[sflag:s0] =	ssyncset.done @!p0 $0x0  }
0x79: {  	[sflag:s0] =	ssyncadd.s32 @!p0 s1  }
0x7a: {  	[bflag:$0x3] =	sbarrier.arrive $0xFFFF  }
0x7b: {  	_ =	shalt  }

// kernel: kernel.9.cloned.1.call-start
scs
__scs_entry_jumppad:
0x0: {  	(pc) =	sbr.rel $0x88, $3  }
0x1: {  	(tag) =	ssettag $0x0;
	lr =	simm.s32 $0x1  }
0x2: {  	[smem:$0x3F99] =	sst lr;
	_ =	strace $0xD0000000  }
0x3: {  	_ = 	snop  }
0x4: {  	_ = 	snop  }
0x5: {  	_ = 	snop  }
0x6: {  	_ = 	snop  }
0x7: {  	_ = 	snop  }
__scs_overlays_trampoline_lowered:
0x8: {  	[smem:$0x3FA8] =	sst s0  }
0x9: {  	[smem:$0x3FA9] =	sst s1  }
0xa: {  	[smem:$0x3FAA] =	sst s2  }
0xb: {  	[smem:$0x3FAB] =	sst s3  }
0xc: {  	[smem:$0x3FAC] =	sst s4  }
0xd: {  	[smem:$0x3FAD] =	sst s5  }
0xe: {  	[smem:$0x3FAE] =	sst s6  }
0xf: {  	[smem:$0x3FAF] =	sst s7  }
0x10: {  	[smem:$0x3FB0] =	sst s8  }
0x11: {  	[smem:$0x3FB1] =	sst s9;
	s0 =	simm.s32 @!p0 $0x0  }
0x12: {  	s1 =	sld [smem:$0x3F97];
	s0 =	simm.s32 @p0 $0x1  }
0x13: {  	[smem:$0x3FB2] =	sst s0;
	s0 =	simm.s32 @!p1 $0x0  }
0x14: {  	s2 =	sld [smem:$0x3F96];
	s0 =	simm.s32 @p1 $0x1  }
0x15: {  	[smem:$0x3FB3] =	sst s0;
	s0 =	simm.s32 @!p2 $0x0  }
0x16: {  	s3 =	sld [smem:$0x3FDB];
	s0 =	simm.s32 @p2 $0x1  }
0x17: {  	s4 =	simm.s32 $0x1BF5;
	[smem:$0x3FB5] =	sst s0  }
0x18: {  	s0 =	sld [smem:$0x3F98];
	_ =	swait.ge [sflag:s4], $0x0  }
0x19: {  	s7 =	sld [smem:$0x3F99]  }
0x1a: {  	s8 =	sadd.s32 $0xFFFFE003, lr  }
0x1b: {  	s9 =	sadd.s32 $0xFFFFFEF7, lr;
	s5 =	simm.s32 $0xFFFFFFFF;
	p2 =	slt.u32 s8, $0xFFFFF086  }
0x1c: {  	p1 =	slt.u32 s9, $0xF7A;
	s5 =	simm.s32 @!p2 $0x0  }
0x1d: {  	s5 =	simm.s32 @p1 $0x1;
	p0 =	seq.s32 s7, s2  }
0x1e: {  	s7 =	smul.u32 @!p0 $0xF7A, s2;
	p2 =	seq.s32 @!p0 s5, $0x0  }
0x1f: {  	s9 =	smul.u32 $0xF7A, s1;
	s8 =	simm.s32 @!p0 $0x1BF5;
	p2 =	por !p2, p0  }
0x20: {  	[sflag:s8] =	ssyncset.s32 @!p0 $0xFFFFF086;
	s6 =	sadd.s32 @!p0 s3, s7;
	s7 =	simm.s32 @!p0 $0x108  }
0x21: {  	s3 =	sadd.s32 s3, s9;
	s6 =	sadd.s32 @!p0 $0x88, s6;
	s7 =	simm.s32 @p2 $0x1082  }
0x22: {  	[simem:s7], [sflag:s8] =	dma.local @!p0 [hbm:s6], $0xF7A  }
0x23: {  	s9 =	sor.u32 $0xD0000000, s2;
	s6 =	simm.s32 $0x108;
	_ =	swait.ge @!p0 [sflag:s8], $0x0  }
0x24: {  	s3 =	sadd.s32 $0x88, s3;
	s6 =	simm.s32 @!p1 $0x1082;
	[sflag:s4] =	ssyncset.s32 $0xFFFFF086  }
0x25: {  	[simem:s6], [sflag:s4] =	dma.local [hbm:s3], $0xF7A  }
0x26: {  	[smem:$0x3F99] =	sst s1;
	(tag) =	ssettag s2;
	_ =	strace s9  }
0x27: {  	s1 =	sld [smem:$0x3FA9]  }
0x28: {  	s2 =	sld [smem:$0x3FAA]  }
0x29: {  	s4 =	sld [smem:$0x3FAC]  }
0x2a: {  	p0 =	seq.s32 s5, $0x0;
	s5 =	sld [smem:$0x3FAD]  }
0x2b: {  	s6 =	sld [smem:$0x3FAE]  }
0x2c: {  	s7 =	sld [smem:$0x3FAF]  }
0x2d: {  	s3 =	simm.s32 $0x108;
	s8 =	sld [smem:$0x3FB0]  }
0x2e: {  	s3 =	simm.s32 @!p0 $0x1082;
	s9 =	sld [smem:$0x3FB1]  }
0x2f: {  	lr =	sadd.s32 s0, s3;
	s0 =	sld [smem:$0x3FA8]  }
0x30: {  	s3 =	sld [smem:$0x3FAB]  }
0x31: {  	[smem:$0x3FB4] =	sst s10  }
0x32: {  	s10 =	sld [smem:$0x3FB2];
	_ =	sdelay $0x3  }
0x33: {  	p0 =	seq.s32 s10, $0x1;
	s10 =	sld [smem:$0x3FB4];
	_ =	sdelay $0x3  }
0x34: {  	[smem:$0x3FB4] =	sst s10  }
0x35: {  	s10 =	sld [smem:$0x3FB3];
	_ =	sdelay $0x3  }
0x36: {  	p1 =	seq.s32 s10, $0x1;
	s10 =	sld [smem:$0x3FB4];
	_ =	sdelay $0x3  }
0x37: {  	[smem:$0x3FB4] =	sst s10  }
0x38: {  	s10 =	sld [smem:$0x3FB5]  }
0x39: {  	_ = 	snop;
	(pc) =	sbr.ind lr, $3  }
0x3a: {  	_ = 	snop  }
0x3b: {  	_ = 	snop  }
0x3c: {  	p2 =	seq.s32 s10, $0x1;
	s10 =	sld [smem:$0x3FB4]  }
0x3d: {  	_ =	shalt  }
0x3e: {  	_ =	shalt  }
0x3f: {  	_ =	shalt  }
0x40: {  	_ =	shalt  }
0x41: {  	_ =	shalt  }
0x42: {  	_ =	shalt  }
0x43: {  	_ =	shalt  }
0x44: {  	_ =	shalt  }
0x45: {  	_ =	shalt  }
0x46: {  	_ =	shalt  }
0x47: {  	_ =	shalt  }
0x48: {  	_ =	shalt  }
0x49: {  	_ =	shalt  }
0x4a: {  	_ =	shalt  }
0x4b: {  	_ =	shalt  }
0x4c: {  	_ =	shalt  }
0x4d: {  	_ =	shalt  }
0x4e: {  	_ =	shalt  }
0x4f: {  	_ =	shalt  }
0x50: {  	_ =	shalt  }
0x51: {  	_ =	shalt  }
0x52: {  	_ =	shalt  }
0x53: {  	_ =	shalt  }
0x54: {  	_ =	shalt  }
0x55: {  	_ =	shalt  }
0x56: {  	_ =	shalt  }
0x57: {  	_ =	shalt  }
0x58: {  	_ =	shalt  }
0x59: {  	_ =	shalt  }
0x5a: {  	_ =	shalt  }
0x5b: {  	_ =	shalt  }
0x5c: {  	_ =	shalt  }
0x5d: {  	_ =	shalt  }
0x5e: {  	_ =	shalt  }
0x5f: {  	_ =	shalt  }
0x60: {  	_ =	shalt  }
0x61: {  	_ =	shalt  }
0x62: {  	_ =	shalt  }
0x63: {  	_ =	shalt  }
0x64: {  	_ =	shalt  }
0x65: {  	_ =	shalt  }
0x66: {  	_ =	shalt  }
0x67: {  	_ =	shalt  }
0x68: {  	_ =	shalt  }
0x69: {  	_ =	shalt  }
0x6a: {  	_ =	shalt  }
0x6b: {  	_ =	shalt  }
0x6c: {  	_ =	shalt  }
0x6d: {  	_ =	shalt  }
0x6e: {  	_ =	shalt  }
0x6f: {  	_ =	shalt  }
0x70: {  	_ =	shalt  }
0x71: {  	_ =	shalt  }
0x72: {  	_ =	shalt  }
0x73: {  	_ =	shalt  }
0x74: {  	_ =	shalt  }
0x75: {  	_ =	shalt  }
0x76: {  	_ =	shalt  }
0x77: {  	_ =	shalt  }
0x78: {  	_ =	shalt  }
0x79: {  	_ =	shalt  }
0x7a: {  	_ =	shalt  }
0x7b: {  	_ =	shalt  }
0x7c: {  	_ =	shalt  }
0x7d: {  	_ =	shalt  }
0x7e: {  	_ =	shalt  }
0x7f: {  	_ =	shalt  }
0x80: {  	_ =	shalt  }
0x81: {  	_ =	shalt  }
0x82: {  	_ =	shalt  }
0x83: {  	_ =	shalt  }
0x84: {  	_ =	shalt  }
0x85: {  	_ =	shalt  }
0x86: {  	_ =	shalt  }
0x87: {  	_ =	shalt  }
.Lfunc_end0:
.L_simem_size_0:
called_computation_lowered:
.L_overlay_start_0:
0x88: {  	s2 =	sld [smem:$0x3FD9]  }
0x89: {  	s3 =	sld [smem:$0x3FFE];
	_ =	sdelay $0x1  }
0x8a: {  	s1 =	srdreg.scid  }
0x8b: {  	s0 =	sand.u32 $0x1, s1  }
0x8c: {  	s17 =	sshll.u32 s0, $0xA;
	s2 =	sadd.s32 s3, s2  }
0x8d: {  	s2 =	sadd.s32 s2, s17  }
0x8e: {  	[smem:$0x3FC0] =	sst s2  }
0x8f: {  	_ = 	snop  }
0x90: {  	s2 =	sld [smem:$0x3FD0];
	(tm) =	ssettm $0x1  }
0x91: {  	s18 =	sld [smem:$0x3FFB];
	_ =	sdelay $0x3  }
0x92: {  	_ =	strace s18  }
0x93: {  	s3 =	sld [smem:$0x3FFC];
	_ =	sdelay $0x3  }
0x94: {  	_ =	strace s3  }
0x95: {  	s3 =	sld [smem:$0x3FFD];
	_ =	sdelay $0x3  }
0x96: {  	_ =	strace s3  }
0x97: {  	_ =	strace $0x8FFFFFFF  }
0x98: {  	s19 =	sld [smem:$0x3FDB];
	_ =	sdelay $0x1  }
0x99: {  	s4 =	simm.s32 $_scs_section_size  }
0x9a: {  	s5 =	simm.s32 $_size__tile_overlayer_lowered;
	s6 =	simm.s32 $_tile_overlayer_lowered  }
0x9b: {  	s22 =	simm.s32 $0x1BFF;
	s21 =	sshll.u32 s6, $0x1;
	s3 =	sadd.s32 s4, s19  }
0x9c: {  	s7 =	simm.s32 $0x0;
	s20 =	sshll.u32 s5, $0x1;
	s5 =	sadd.s32 s21, s3  }
0x9d: {  	[timem:s7], [sflag:s22] =	dma.local [hbm:s5], s20  }
0x9e: {  	_ =	swait.ge [sflag:s22], s20  }
0x9f: {  	s4 =	ssub.s32 $0x0, s20;
	[sflag:s22] =	ssyncset.done $0x0  }
0xa0: {  	[sflag:s22] =	ssyncadd.s32 s4;
	_ =	sdelay $0x1  }
0xa1: {  	s23 =	simm.s32 $0x1B8B  }
0xa2: {  	_ =	swait.ge [sflag:s23], $0x1  }
0xa3: {  	[sflag:s23] =	ssyncset.done $0x0  }
0xa4: {  	s25 =	simm.s32 $0x1B8E;
	s24 =	sld [smem:$0x3FFE];
	[sflag:s23] =	ssyncadd.s32 $0xFFFFFFFF  }
0xa5: {  	s26 =	simm.s32 $execute0_lowered;
	[smem:$0x3FD2] =	sst s25  }
0xa6: {  	s5 =	sshll.u32 s26, $0x1;
	_ =	strace $0x80000046;
	[dreg:$0x1] =	wrdreg $0xFFFFFFFF  }
0xa7: {  	s28 =	simm.s32 $_size_execute0_lowered;
	s3 =	sadd.s32 s3, s5;
	[dreg:$0x0] =	wrdreg $0x0  }
0xa8: {  	s5 =	sshll.u32 s28, $0x1;
	[dreg:$0x2] =	wrdreg s3  }
0xa9: {  	[dreg:$0x3] =	wrdreg s5  }
0xaa: {  	[dreg:$0x4] =	wrdreg $0xC0  }
0xab: {  	_ =	task [dreg:s7], $0x5FFFF  }
0xac: {  	[dreg:$0x1] =	wrdreg $0xFFFFFFFF  }
0xad: {  	[dreg:$0x0] =	wrdreg $0x60  }
0xae: {  	[dreg:$0x2] =	wrdreg s2  }
0xaf: {  	[dreg:$0x3] =	wrdreg s24  }
0xb0: {  	[dreg:$0x4] =	wrdreg $0x2C800  }
0xb1: {  	[dreg:$0x5] =	wrdreg $0x9  }
0xb2: {  	_ =	task.clear_ibuf [dreg:s7], $0x6FFFF;
	_ =	strace $0x90000046  }
0xb3: {  	s29 =	simm.s32 $0x9;
	_ =	strace $0x80000048  }
0xb4: {  	_ =	swait.ge [sflag:s29], $0x1  }
0xb5: {  	[sflag:s29] =	ssyncadd.s32 $0xFFFFFFFF  }
0xb6: {  	_ =	strace $0x90000048  }
0xb7: {  	_ =	sfence  }
0xb8: {  	s30 =	sld [smem:$0x0];
	_ =	sdelay $0x2  }
0xb9: {  	s31 =	sshll.u32 s1, $0xD;
	s1 =	sshrl.u32 s1, $0x2  }
0xba: {  	s3 =	sand.u32 $0x4000, s31;
	s1 =	sadd.s32 s1, s30  }
0xbb: {  	s0 =	sor.u32 s3, s0;
	s1 =	sshll.u32 s1, $0x11  }
0xbc: {  	s0 =	sor.u32 s1, s0  }
0xbd: {  	s0 =	sadd.s32 $0x8F2B, s0  }
0xbe: {  	[sflag:s0] =	ssyncadd.remote.s32 $0x1  }
0xbf: {  	_ =	sfence.sel $0xFFFF  }
0xc0: {  	[dreg:$0x0] =	wrdreg $0xFFFFFFFF;
	(pc) =	sbr.abs _section_cstart, $3  }
0xc1: {  	[dreg:$0x1] =	wrdreg $0xFFFFFFFF  }
0xc2: {  	_ =	task.clear_ibuf [dreg:s7], $0x2FFFF;
	_ =	strace $0x9FFFFFFF  }
0xc3: {  	(tm) =	ssettm $0x7FFFFFFF  }
tec
execute0_lowered:
.L_overlay_start_1:
0x0: {  	(tag) =	ssettag $0x1  }
0x1: {  	s6 =	rddreg [dreg:$0x0]  }
0x2: {  	s7 =	rddreg [dreg:$0x1]  }
0x3: {  	s1 =	rddreg [dreg:$0x2]  }
0x4: {  	s0 =	rddreg [dreg:$0x3];
	s2 =	simm.s32 $0x0;
	s3 =	srdreg.scid  }
0x5: {  	s13 =	simm.s32 $0x2400;
	s14 =	simm.s32 $0x0;
	[smem:$0x7FF] =	sst s2  }
0x6: {  	s5 =	sand.u32 $0x1, s3;
	s4 =	sadd.s32 $0x1A00, s7;
	s3 =	stileid.u32  }
0x7: {  	_ =	strace $0x80000047;
	s8 =	ssub.s32 $0x2, s5;
	s11 =	smul.u32 $0x2C000, s5  }
0x8: {  	s10 =	sshll.u32 s3, $0xA;
	s29 =	smul.u32 $0x2C00, s3;
	s12 =	sshll.u32 s3, $0x6  }
0x9: {  	p0 =	seq.s32 s5, $0x1;
	s30 =	sshll.u32 s3, $0x7;
	s9 =	sshrl.u32 s8, $0x1  }
0xa: {  	s28 =	sadd.s32 s10, s1;
	s5 =	sor.u32 $0x1C02, s12;
	s13 =	simm.s32 @!p0 $0x1C00  }
0xb: {  	s12 =	simm.s32 $0x2C00;
	s8 =	ssub.s32 s8, s9;
	s10 =	sadd.s32 s29, s11  }
0xc: {  	s31 =	sadd.s32 s13, s7;
	s9 =	sshrl.u32 s28, $0x3;
	s11 =	simm.s32 $0x80  }
0xd: {  	s13 =	simm.s32 $0x1;
	s10 =	sshrl.u32 s10, $0x3;
	s7 =	smax.u32 s8, $0x1  }
0xe: {  	v0 =	vimm.f32 $1.000000000e+00;
	s8 =	sadd.s32 s31, s30;
	s6 =	sadd.s32 s6, s10;
	s10 =	simm.s32 $0x2  }
.LBB2_1:
0xf: {  	[spmem:s9], [sflag:s5] =	dma.local [hbm:s4], $0x80  }
0x10: {  	_ =	swait.ge [sflag:s10], $0x80  }
0x11: {  	[sflag:s10] =	ssyncset.done $0x0  }
0x12: {  	[sflag:s10] =	ssyncadd.s32 $0xFFFFFF80  }
0x13: {  	[tilespmem:s2], [sflag:$0x2] =	stream.linear.gather [hbm4b:s6+s2], $0x2880, $0x38;
	[tilespmem:$0x3080] =	vst v63  }
0x14: {  	_ =	swait.ge [sflag:s10], $0x2880  }
0x15: {  	[sflag:s10] =	ssyncset.done $0x0  }
0x16: {  	[sflag:s10] =	ssyncadd.s32 $0xFFFFD780  }
0x17: {  	[tilespmem:$0x2C00] =	vst v0  }
0x18: {  	[tilespmem:$0x2C10] =	vst v0  }
0x19: {  	[tilespmem:$0x2C20] =	vst v0  }
0x1a: {  	[tilespmem:$0x2C30] =	vst v0  }
0x1b: {  	[tilespmem:$0x2C40] =	vst v0  }
0x1c: {  	[tilespmem:$0x2C50] =	vst v0  }
0x1d: {  	[tilespmem:$0x2C60] =	vst v0  }
0x1e: {  	[tilespmem:$0x2C70] =	vst v0  }
0x1f: {  	s15 =	simm.s32 $0x0;
	[bflag:$0x0] =	sbarrier.arrive $0xFFFF  }
.LBB2_2:
0x20: {  	p0 =	sne.s32 s15, $0xA000  }
.Ltmp0:
0x21: {  	_ = 	snop;
	(pc) =	sbr.rel @p0 .LBB2_2-.Ltmp0, $3  }
0x22: {  	_ =	sdelay $0x1  }
0x23: {  	s16 =	sshra.s32 s15, $0x2;
	s15 =	sadd.s32 $0x200, s15  }
0x24: {  	[spmem:s1] =	stream.indirect.scatter.add.f32 [tilespmem:s12], [sflag:$0x1], $0x1, s16, s11, $0xb8;
	[tilespmem:$0x3080] =	vst v63  }
0x25: {  	_ =	swait.ge [sflag:s13], $0x80  }
0x26: {  	s15 =	simm.s32 $0x50;
	[sflag:s13] =	ssyncset.done $0x0  }
.LBB2_4:
0x27: {  	p0 =	sne.s32 s15, $0x1;
	s15 =	sadd.s32 $0xFFFFFFFF, s15;
	[sflag:s13] =	ssyncadd.s32 $0xFFFFFF80  }
.Ltmp1:
0x28: {  	(pc) =	sbr.rel @p0 .LBB2_4-.Ltmp1, $3  }
0x29: {  	_ =	sdelay $0x1  }
0x2a: {  	_ =	swait.ge [sflag:s13], $0x80  }
0x2b: {  	[sflag:s13] =	ssyncset.done $0x0  }
0x2c: {  	s14 =	sadd.s32 $0x1, s14  }
0x2d: {  	[sflag:s13] =	ssyncadd.s32 $0xFFFFFF80;
	p0 =	sne.s32 s14, s7  }
.Ltmp2:
0x2e: {  	[bflag:$0x0] =	sbarrier.arrive $0xFFFF;
	(pc) =	sbr.rel @p0 .LBB2_1-.Ltmp2, $4  }
0x2f: {  	[hbm:s8], [sflag:s5] =	dma.local [spmem:s9], $0x80  }
0x30: {  	_ =	swait.ge [sflag:s10], $0x80  }
0x31: {  	[sflag:s10] =	ssyncset.done $0x0  }
0x32: {  	[sflag:s10] =	ssyncadd.s32 $0xFFFFFF80  }
0x33: {  	_ =	sfence.sel $0x180000  }
0x34: {  	[bflag:$0x0] =	sbarrier.arrive $0xFFFF  }
0x35: {  	p0 =	sne.s32 s3, $0x0;
	_ =	strace $0x90000047  }
0x36: {  	s0 =	sadd.s32 @!p0 $0x100000, s0;
	[bflag:$0x2] =	sbarrier.arrive $0xFFFF  }
0x37: {  	[sflag:s0] =	ssyncadd.tile.s32 @!p0 $0x1;
	_ =	shalt  }
.Lfunc_end2:
_tile_overlayer_lowered:
.L_overlay_start_2:
0x38: {  	(tag) =	ssettag $0x2  }
0x39: {  	s0 =	rddreg [dreg:$0x0];
	s2 =	stileid.u32  }
0x3a: {  	s1 =	rddreg [dreg:$0x1];
	p0 =	sne.s32 s2, $0x0  }
0x3b: {  	s3 =	rddreg [dreg:$0x2];
	[bflag:$0x3] =	sbarrier.arrive $0xFFFF;
	s2 =	simm.s32 @!p0 $0x1C02  }
0x3c: {  	[timem:s3], [sflag:s2] =	dma.local @!p0 [hbm:s0], s1  }
0x3d: {  	s0 =	simm.s32 @!p0 $0x2  }
0x3e: {  	_ =	swait.ge @!p0 [sflag:s0], s1  }
0x3f: {  	s1 =	ssub.s32 @!p0 $0x0, s1;
	[sflag:s0] =	ssyncset.done @!p0 $0x0  }
0x40: {  	[sflag:s0] =	ssyncadd.s32 @!p0 s1  }
0x41: {  	[bflag:$0x3] =	sbarrier.arrive $0xFFFF  }
0x42: {  	_ =	shalt  }

</sc_bundles>
